<compile_context>
chip_gen: v7x
topology: tpu7x:2x2x1
jax: 0.10.2.dev20260603
libtpu: 0.0.44.dev20260713+nightly
codegen_flags: <defaults>
</compile_context>

<pallas_src>
import functools

import jax
import jax.numpy as jnp
from jax import lax
from jax.experimental import pallas as pl
from jax.experimental.pallas import tpu as pltpu
from jax.experimental.pallas import tpu_sc as plsc

NUM_CODES = 1024
DIM = 256
ROWS = 16 * 576
BETA = 0.25

BM = 1024
SPLIT_STEPS = (6, 3)

NC = 2
NS = 16
NW = NC * NS


def _make_argmin_body(with_ct):
    def body(z_ref, c_ref, idx_ref, hist_ref, loss_ref, *rest):
        if with_ct:
            ct_ref, cn_ref = rest
        else:
            (cn_ref,) = rest
        step = pl.program_id(0)

        @pl.when(step == 0)
        def _init():
            c = c_ref[...]
            cn_ref[...] = jnp.sum(c * c, axis=0, keepdims=True)
            hist_ref[...] = jnp.zeros_like(hist_ref)
            loss_ref[...] = jnp.zeros_like(loss_ref)
            if with_ct:
                ct_ref[...] = c.T

        z = z_ref[...]
        rn = jnp.sum(z * z, axis=1, keepdims=True)
        mm2 = jnp.dot(z + z, c_ref[...], preferred_element_type=jnp.float32)
        d = (rn - mm2) + cn_ref[...]
        dmin = jnp.min(d, axis=1, keepdims=True)
        mask = d == dmin
        ids = lax.broadcasted_iota(jnp.int32, d.shape, 1).astype(jnp.float32)
        idxf = jnp.min(jnp.where(mask, ids, jnp.float32(2**30)), axis=1)
        idx_ref[...] = idxf.astype(jnp.int32)
        hist_ref[...] += mask.astype(jnp.float32).sum(axis=0, keepdims=True)
        loss_ref[...] += jnp.reshape(jnp.sum(dmin), (1, 1))

    return body


@functools.cache
def _make_argmin_call(base_block, nsteps, with_ct):
    out_specs = [
        pl.BlockSpec((BM,), lambda i: (i,)),
        pl.BlockSpec((1, NUM_CODES), lambda i: (0, 0)),
        pl.BlockSpec((1, 1), lambda i: (0, 0)),
    ]
    out_shape = [
        jax.ShapeDtypeStruct((nsteps * BM,), jnp.int32),
        jax.ShapeDtypeStruct((1, NUM_CODES), jnp.float32),
        jax.ShapeDtypeStruct((1, 1), jnp.float32),
    ]
    if with_ct:
        out_specs.append(pl.BlockSpec((NUM_CODES, DIM), lambda i: (0, 0)))
        out_shape.append(jax.ShapeDtypeStruct((NUM_CODES, DIM), jnp.float32))
    return pl.pallas_call(
        _make_argmin_body(with_ct),
        grid=(nsteps,),
        in_specs=[
            pl.BlockSpec((BM, DIM), lambda i: (base_block + i, 0)),
            pl.BlockSpec((DIM, NUM_CODES), lambda i: (0, 0)),
        ],
        out_specs=out_specs,
        out_shape=out_shape,
        scratch_shapes=[pltpu.VMEM((1, NUM_CODES), jnp.float32)],
    )


def _scalar_body(h0_ref, h1_ref, l0_ref, l1_ref, pplx_ref, cbl_ref, cml_ref):
    p = (h0_ref[...] + h1_ref[...]) / jnp.float32(ROWS)
    ent = -jnp.sum(p * jnp.log(p + 1e-10))
    pplx_ref[...] = jnp.reshape(jnp.exp(ent), (1, 1))
    loss = (l0_ref[...] + l1_ref[...]) / jnp.float32(ROWS * DIM)
    cbl_ref[...] = loss
    cml_ref[...] = jnp.float32(BETA) * loss


_scalar_call = pl.pallas_call(
    _scalar_body,
    out_shape=[jax.ShapeDtypeStruct((1, 1), jnp.float32)] * 3,
)


@functools.cache
def _make_gather_call(base_row, bpw):
    @functools.partial(
        pl.kernel,
        out_type=(),
        mesh=plsc.VectorSubcoreMesh(core_axis_name="c", subcore_axis_name="s",
                                    num_cores=NC, num_subcores=NS),
        scratch_types=[
            pltpu.VMEM((bpw,), jnp.int32),
            pltpu.VMEM((bpw, DIM), jnp.float32),
            pltpu.SemaphoreType.DMA,
        ],
    )
    def gather(table_hbm, idx_hbm, ste_ref, idx_v, rows_v, sem):
        wid = lax.axis_index("s") * NC + lax.axis_index("c")
        base = wid * bpw
        pltpu.sync_copy(idx_hbm.at[pl.ds(base, bpw)], idx_v)
        pltpu.async_copy(table_hbm.at[idx_v], rows_v, sem).wait()
        pltpu.sync_copy(rows_v, ste_ref.at[pl.ds(base_row + base, bpw)])

    return gather


def kernel(inputs, codebook):
    flat = jnp.reshape(inputs, (ROWS, DIM))
    ste_ref = jax.new_ref(jax.lax.empty((ROWS, DIM), jnp.float32))
    hists = []
    losses = []
    ct = None
    base = 0
    for s, nsteps in enumerate(SPLIT_STEPS):
        outs = _make_argmin_call(base // BM, nsteps, with_ct=(s == 0))(
            flat, codebook)
        if s == 0:
            idx, h, l, ct = outs
        else:
            idx, h, l = outs
        hists.append(h)
        losses.append(l)
        _make_gather_call(base, nsteps * BM // NW)(ct, idx, ste_ref)
        base += nsteps * BM
    pplx, cbl, cml = _scalar_call(*hists, *losses)
    ste = jnp.reshape(ste_ref[...], inputs.shape)
    return (ste, jnp.reshape(pplx, ()), jnp.reshape(cbl, ()),
            jnp.reshape(cml, ()))

# --- scband reference (transcript-rebuilt; emitter-appended) ---
"""Pipeline reference for scband-vector-quantizer-76587856823005 (READ-ONLY COPY).

The authoritative reference and input builder live on the scoring server;
editing this copy changes nothing except your own understanding.
"""

import jax, jax.numpy as jnp
import numpy as np

NUM_EMBEDDINGS = 1024
EMBEDDING_DIM = 256
BETA = 0.25

def setup_inputs(seed: int = 0) -> dict:
    key = jax.random.key(seed)
    k1, k2 = jax.random.split(key)
    inputs = jax.random.normal(k1, (16, 576, EMBEDDING_DIM), dtype=jnp.float32)
    # lecun_uniform over shape (embedding_dim, num_embeddings): fan_in = embedding_dim
    limit = np.sqrt(3.0 / EMBEDDING_DIM)
    codebook = jax.random.uniform(k2, (EMBEDDING_DIM, NUM_EMBEDDINGS), dtype=jnp.float32, minval=-limit, maxval=limit)
    return {"inputs": inputs, "codebook": codebook}

def reference(inputs, codebook):
    flat_inputs = jnp.reshape(inputs, (-1, EMBEDDING_DIM))
    distances = (jnp.sum(jnp.square(flat_inputs), 1, keepdims=True)
                 - 2 * jnp.matmul(flat_inputs, codebook)
                 + jnp.sum(jnp.square(codebook), 0, keepdims=True))
    encoding_indices = jnp.argmin(distances, 1)
    flat_quantized = jnp.take(codebook, encoding_indices, axis=1).swapaxes(1, 0)
    quantized = jnp.reshape(flat_quantized, inputs.shape)
    codebook_loss = jnp.mean(jnp.square(quantized - jax.lax.stop_gradient(inputs)))
    commitment_loss = BETA * jnp.mean(jnp.square(jax.lax.stop_gradient(quantized) - inputs))
    ste = inputs + jax.lax.stop_gradient(quantized - inputs)
    encodings = jax.nn.one_hot(encoding_indices, NUM_EMBEDDINGS, dtype=distances.dtype)
    avg_probs = jnp.mean(encodings, 0)
    perplexity = jnp.exp(-jnp.sum(avg_probs * jnp.log(avg_probs + 1e-10)))
    return (ste, perplexity, codebook_loss, commitment_loss)

if __name__ == "__main__":
    import jax
    _d = setup_inputs()
    print(jax.jit(kernel)(*tuple(_d.values())))

</pallas_src>

<mosaic_0001>
#map = affine_map<(d0, d1) -> (0, 0)>
#map1 = affine_map<(d0, d1) -> (0)>
module attributes {stable_mosaic.version = 14 : i64} {
  func.func @new_body(%arg0: i32, %arg1: i32, %arg2: memref<1024x256xf32, #tpu.memory_space<hbm>>, %arg3: memref<3072xi32, #tpu.memory_space<hbm>>, %arg4: memref<9216x256xf32, #tpu.memory_space<hbm>>, %arg5: memref<9216x256xf32, #tpu.memory_space<hbm>>, %arg6: memref<96xi32, #tpu.memory_space<vmem>>, %arg7: memref<96x256xf32, #tpu.memory_space<vmem>>, %arg8: memref<!tpu.dma_semaphore, #tpu.memory_space<semaphore_mem>>) attributes {dimension_semantics = [#tpu.dimension_semantics<core_parallel>, #tpu.dimension_semantics<subcore_parallel>], iteration_bounds = array<i64: 2, 16>, scalar_prefetch = 0 : i64, scratch_operands = 3 : i64, tpu.core_type = #tpu.core_type<sc_vector_subcore>, window_params = [{transform_indices = #map}, {transform_indices = #map1}, {transform_indices = #map}, {transform_indices = #map}]} {
    %mul3A = arith.constant 2 : i32
    %mul3A_0 = arith.muli %arg1, %mul3A : i32
    %add3A = arith.addi %mul3A_0, %arg0 : i32
    %mul3A_1 = arith.constant 96 : i32
    %mul3A_2 = arith.muli %add3A, %mul3A_1 : i32
    "tpu.region"() ({
      %run_scoped3A = tpu.sem_alloc : memref<!tpu.dma_semaphore, #tpu.memory_space<semaphore_mem>>
      %dma_start3A_9 = tpu.memref_slice %arg3[%mul3A_2] : memref<3072xi32, #tpu.memory_space<hbm>> -> memref<96xi32, #tpu.memory_space<hbm>>
      %dma_start3A_10 = tpu.memref_slice %arg3[%mul3A_2] : memref<3072xi32, #tpu.memory_space<hbm>> -> memref<96xi32, #tpu.memory_space<hbm>>
      tpu.enqueue_dma source(%dma_start3A_10 : memref<96xi32, #tpu.memory_space<hbm>>) target(%arg6 : memref<96xi32, #tpu.memory_space<vmem>>) target_semaphore(%run_scoped3A : memref<!tpu.dma_semaphore, #tpu.memory_space<semaphore_mem>>)
      %dma_wait3A_11 = tpu.memref_slice %arg3[%mul3A_2] : memref<3072xi32, #tpu.memory_space<hbm>> -> memref<96xi32, #tpu.memory_space<hbm>>
      %dma_wait3A_12 = tpu.memref_slice %arg3[%mul3A_2] : memref<3072xi32, #tpu.memory_space<hbm>> -> memref<96xi32, #tpu.memory_space<hbm>>
      tpu.wait_dma2 semaphore(%run_scoped3A : memref<!tpu.dma_semaphore, #tpu.memory_space<semaphore_mem>>) src(%dma_wait3A_12 : memref<96xi32, #tpu.memory_space<hbm>>) dst(%arg6 : memref<96xi32, #tpu.memory_space<vmem>>)
      tpu.yield
    }) : () -> ()
    %dma_start3A = arith.constant 0 : i32
    %dma_start3A_3 = arith.constant 0 : i32
    %dma_start3A_4 = tpu.memref_slice %arg2[%dma_start3A, %dma_start3A_3] : memref<1024x256xf32, #tpu.memory_space<hbm>> -> memref<1024x256xf32, #tpu.memory_space<hbm>>
    tpu.enqueue_indirect_dma source(%dma_start3A_4 : memref<1024x256xf32, #tpu.memory_space<hbm>>) target(%arg7 : memref<96x256xf32, #tpu.memory_space<vmem>>) offsets(%arg6 : memref<96xi32, #tpu.memory_space<vmem>>) semaphore(%arg8 : memref<!tpu.dma_semaphore, #tpu.memory_space<semaphore_mem>>)
    %dma_wait3A = arith.constant 0 : i32
    %dma_wait3A_5 = arith.constant 0 : i32
    %dma_wait3A_6 = tpu.memref_slice %arg2[%dma_wait3A, %dma_wait3A_5] : memref<1024x256xf32, #tpu.memory_space<hbm>> -> memref<1024x256xf32, #tpu.memory_space<hbm>>
    tpu.wait_indirect_dma semaphore(%arg8 : memref<!tpu.dma_semaphore, #tpu.memory_space<semaphore_mem>>) src(%dma_wait3A_6 : memref<1024x256xf32, #tpu.memory_space<hbm>>) dst(%arg7 : memref<96x256xf32, #tpu.memory_space<vmem>>)
    %add3A_7 = arith.constant 6144 : i32
    %add3A_8 = arith.addi %add3A_7, %mul3A_2 : i32
    "tpu.region"() ({
      %run_scoped3A = tpu.sem_alloc : memref<!tpu.dma_semaphore, #tpu.memory_space<semaphore_mem>>
      %dma_start3A_9 = arith.constant 0 : i32
      %dma_start3A_10 = tpu.memref_slice %arg4[%add3A_8, %dma_start3A_9] : memref<9216x256xf32, #tpu.memory_space<hbm>> -> memref<96x256xf32, #tpu.memory_space<hbm>>
      %dma_start3A_11 = arith.constant 0 : i32
      %dma_start3A_12 = tpu.memref_slice %arg4[%add3A_8, %dma_start3A_11] : memref<9216x256xf32, #tpu.memory_space<hbm>> -> memref<96x256xf32, #tpu.memory_space<hbm>>
      tpu.enqueue_dma source(%arg7 : memref<96x256xf32, #tpu.memory_space<vmem>>) target(%dma_start3A_12 : memref<96x256xf32, #tpu.memory_space<hbm>>) target_semaphore(%run_scoped3A : memref<!tpu.dma_semaphore, #tpu.memory_space<semaphore_mem>>)
      %dma_wait3A_13 = arith.constant 0 : i32
      %dma_wait3A_14 = tpu.memref_slice %arg4[%add3A_8, %dma_wait3A_13] : memref<9216x256xf32, #tpu.memory_space<hbm>> -> memref<96x256xf32, #tpu.memory_space<hbm>>
      %dma_wait3A_15 = arith.constant 0 : i32
      %dma_wait3A_16 = tpu.memref_slice %arg4[%add3A_8, %dma_wait3A_15] : memref<9216x256xf32, #tpu.memory_space<hbm>> -> memref<96x256xf32, #tpu.memory_space<hbm>>
      tpu.wait_dma2 semaphore(%run_scoped3A : memref<!tpu.dma_semaphore, #tpu.memory_space<semaphore_mem>>) src(%arg7 : memref<96x256xf32, #tpu.memory_space<vmem>>) dst(%dma_wait3A_16 : memref<96x256xf32, #tpu.memory_space<hbm>>)
      tpu.yield
    }) : () -> ()
    return
  }
}

#map = affine_map<(d0, d1) -> (0, 0)>
#map1 = affine_map<(d0, d1) -> (0)>
module attributes {stable_mosaic.version = 14 : i64} {
  func.func @new_body(%arg0: i32, %arg1: i32, %arg2: memref<1024x256xf32, #tpu.memory_space<hbm>>, %arg3: memref<6144xi32, #tpu.memory_space<hbm>>, %arg4: memref<9216x256xf32, #tpu.memory_space<hbm>>, %arg5: memref<9216x256xf32, #tpu.memory_space<hbm>>, %arg6: memref<192xi32, #tpu.memory_space<vmem>>, %arg7: memref<192x256xf32, #tpu.memory_space<vmem>>, %arg8: memref<!tpu.dma_semaphore, #tpu.memory_space<semaphore_mem>>) attributes {dimension_semantics = [#tpu.dimension_semantics<core_parallel>, #tpu.dimension_semantics<subcore_parallel>], iteration_bounds = array<i64: 2, 16>, scalar_prefetch = 0 : i64, scratch_operands = 3 : i64, tpu.core_type = #tpu.core_type<sc_vector_subcore>, window_params = [{transform_indices = #map}, {transform_indices = #map1}, {transform_indices = #map}, {transform_indices = #map}]} {
    %mul3A = arith.constant 2 : i32
    %mul3A_0 = arith.muli %arg1, %mul3A : i32
    %add3A = arith.addi %mul3A_0, %arg0 : i32
    %mul3A_1 = arith.constant 192 : i32
    %mul3A_2 = arith.muli %add3A, %mul3A_1 : i32
    "tpu.region"() ({
      %run_scoped3A = tpu.sem_alloc : memref<!tpu.dma_semaphore, #tpu.memory_space<semaphore_mem>>
      %dma_start3A_9 = tpu.memref_slice %arg3[%mul3A_2] : memref<6144xi32, #tpu.memory_space<hbm>> -> memref<192xi32, #tpu.memory_space<hbm>>
      %dma_start3A_10 = tpu.memref_slice %arg3[%mul3A_2] : memref<6144xi32, #tpu.memory_space<hbm>> -> memref<192xi32, #tpu.memory_space<hbm>>
      tpu.enqueue_dma source(%dma_start3A_10 : memref<192xi32, #tpu.memory_space<hbm>>) target(%arg6 : memref<192xi32, #tpu.memory_space<vmem>>) target_semaphore(%run_scoped3A : memref<!tpu.dma_semaphore, #tpu.memory_space<semaphore_mem>>)
      %dma_wait3A_11 = tpu.memref_slice %arg3[%mul3A_2] : memref<6144xi32, #tpu.memory_space<hbm>> -> memref<192xi32, #tpu.memory_space<hbm>>
      %dma_wait3A_12 = tpu.memref_slice %arg3[%mul3A_2] : memref<6144xi32, #tpu.memory_space<hbm>> -> memref<192xi32, #tpu.memory_space<hbm>>
      tpu.wait_dma2 semaphore(%run_scoped3A : memref<!tpu.dma_semaphore, #tpu.memory_space<semaphore_mem>>) src(%dma_wait3A_12 : memref<192xi32, #tpu.memory_space<hbm>>) dst(%arg6 : memref<192xi32, #tpu.memory_space<vmem>>)
      tpu.yield
    }) : () -> ()
    %dma_start3A = arith.constant 0 : i32
    %dma_start3A_3 = arith.constant 0 : i32
    %dma_start3A_4 = tpu.memref_slice %arg2[%dma_start3A, %dma_start3A_3] : memref<1024x256xf32, #tpu.memory_space<hbm>> -> memref<1024x256xf32, #tpu.memory_space<hbm>>
    tpu.enqueue_indirect_dma source(%dma_start3A_4 : memref<1024x256xf32, #tpu.memory_space<hbm>>) target(%arg7 : memref<192x256xf32, #tpu.memory_space<vmem>>) offsets(%arg6 : memref<192xi32, #tpu.memory_space<vmem>>) semaphore(%arg8 : memref<!tpu.dma_semaphore, #tpu.memory_space<semaphore_mem>>)
    %dma_wait3A = arith.constant 0 : i32
    %dma_wait3A_5 = arith.constant 0 : i32
    %dma_wait3A_6 = tpu.memref_slice %arg2[%dma_wait3A, %dma_wait3A_5] : memref<1024x256xf32, #tpu.memory_space<hbm>> -> memref<1024x256xf32, #tpu.memory_space<hbm>>
    tpu.wait_indirect_dma semaphore(%arg8 : memref<!tpu.dma_semaphore, #tpu.memory_space<semaphore_mem>>) src(%dma_wait3A_6 : memref<1024x256xf32, #tpu.memory_space<hbm>>) dst(%arg7 : memref<192x256xf32, #tpu.memory_space<vmem>>)
    %add3A_7 = arith.constant 0 : i32
    %add3A_8 = arith.addi %add3A_7, %mul3A_2 : i32
    "tpu.region"() ({
      %run_scoped3A = tpu.sem_alloc : memref<!tpu.dma_semaphore, #tpu.memory_space<semaphore_mem>>
      %dma_start3A_9 = arith.constant 0 : i32
      %dma_start3A_10 = tpu.memref_slice %arg4[%add3A_8, %dma_start3A_9] : memref<9216x256xf32, #tpu.memory_space<hbm>> -> memref<192x256xf32, #tpu.memory_space<hbm>>
      %dma_start3A_11 = arith.constant 0 : i32
      %dma_start3A_12 = tpu.memref_slice %arg4[%add3A_8, %dma_start3A_11] : memref<9216x256xf32, #tpu.memory_space<hbm>> -> memref<192x256xf32, #tpu.memory_space<hbm>>
      tpu.enqueue_dma source(%arg7 : memref<192x256xf32, #tpu.memory_space<vmem>>) target(%dma_start3A_12 : memref<192x256xf32, #tpu.memory_space<hbm>>) target_semaphore(%run_scoped3A : memref<!tpu.dma_semaphore, #tpu.memory_space<semaphore_mem>>)
      %dma_wait3A_13 = arith.constant 0 : i32
      %dma_wait3A_14 = tpu.memref_slice %arg4[%add3A_8, %dma_wait3A_13] : memref<9216x256xf32, #tpu.memory_space<hbm>> -> memref<192x256xf32, #tpu.memory_space<hbm>>
      %dma_wait3A_15 = arith.constant 0 : i32
      %dma_wait3A_16 = tpu.memref_slice %arg4[%add3A_8, %dma_wait3A_15] : memref<9216x256xf32, #tpu.memory_space<hbm>> -> memref<192x256xf32, #tpu.memory_space<hbm>>
      tpu.wait_dma2 semaphore(%run_scoped3A : memref<!tpu.dma_semaphore, #tpu.memory_space<semaphore_mem>>) src(%arg7 : memref<192x256xf32, #tpu.memory_space<vmem>>) dst(%dma_wait3A_16 : memref<192x256xf32, #tpu.memory_space<hbm>>)
      tpu.yield
    }) : () -> ()
    return
  }
}

module attributes {stable_mosaic.version = 14 : i64} {
  func.func @body(%arg0: i32, %arg1: memref<1024x256xf32, #tpu.memory_space<vmem>>, %arg2: memref<256x1024xf32, #tpu.memory_space<vmem>>, %arg3: memref<1024xi32, #tpu.memory_space<vmem>>, %arg4: memref<1x1024xf32, #tpu.memory_space<vmem>>, %arg5: memref<1x1xf32, #tpu.memory_space<vmem>>, %arg6: memref<1024x256xf32, #tpu.memory_space<vmem>>, %arg7: memref<1x1024xf32, #tpu.memory_space<vmem>>) attributes {dimension_semantics = [#tpu.dimension_semantics<arbitrary>], iteration_bounds = array<i64: 6>, scalar_prefetch = 0 : i64, scratch_operands = 1 : i64, tpu.core_type = #tpu.core_type<tc>, window_params = [{transform_indices = @transform_0, window_bounds = array<i64: 1024, 256>}, {pipeline_mode = #tpu.pipeline_mode<synchronous>, transform_indices = @transform_1, window_bounds = array<i64: 256, 1024>}, {transform_indices = @transform_2, window_bounds = array<i64: 1024>}, {pipeline_mode = #tpu.pipeline_mode<synchronous>, transform_indices = @transform_3, window_bounds = array<i64: 1, 1024>}, {pipeline_mode = #tpu.pipeline_mode<synchronous>, transform_indices = @transform_4, window_bounds = array<i64: 1, 1>}, {pipeline_mode = #tpu.pipeline_mode<synchronous>, transform_indices = @transform_5, window_bounds = array<i64: 1024, 256>}]} {
    %eq3A = arith.constant 0 : i32
    %eq3A_0 = arith.cmpi eq, %arg0, %eq3A : i32
    %convert_element_type3A = arith.extui %eq3A_0 : i1 to i32
    %cond3A = arith.constant 0 : i32
    %cond3A_1 = arith.cmpi ne, %convert_element_type3A, %cond3A : i32
    scf.if %cond3A_1 {
      %get3A_49 = arith.constant 0 : index
      %get3A_50 = arith.constant 0 : index
      %get3A_51 = vector.load %arg2[%get3A_49, %get3A_50] : memref<256x1024xf32, #tpu.memory_space<vmem>>, vector<256x1024xf32>
      %mul3A_52 = arith.mulf %get3A_51, %get3A_51 : vector<256x1024xf32>
      %reduce_sum3A_53 = arith.constant dense<0.000000e+00> : vector<1024xf32>
      %reduce_sum3A_54 = vector.multi_reduction <add>, %mul3A_52, %reduce_sum3A_53 [0] : vector<256x1024xf32> to vector<1024xf32>
      %broadcast_in_dim3A_55 = vector.shape_cast %reduce_sum3A_54 : vector<1024xf32> to vector<1x1024xf32>
      %swap3A_56 = arith.constant 0 : index
      %swap3A_57 = arith.constant 0 : index
      %swap3A_58 = vector.load %arg7[%swap3A_56, %swap3A_57] : memref<1x1024xf32, #tpu.memory_space<vmem>>, vector<1x1024xf32>
      tpu.vector_store %arg7[%swap3A_56, %swap3A_57], %broadcast_in_dim3A_55 {strides = array<i32>} : memref<1x1024xf32, #tpu.memory_space<vmem>>, vector<1x1024xf32>,
      %broadcast_in_dim3A_59 = arith.constant 0.000000e+00 : f32
      %broadcast_in_dim3A_60 = vector.broadcast %broadcast_in_dim3A_59 : f32 to vector<1x1024xf32>
      %swap3A_61 = arith.constant 0 : index
      %swap3A_62 = arith.constant 0 : index
      %swap3A_63 = vector.load %arg4[%swap3A_61, %swap3A_62] : memref<1x1024xf32, #tpu.memory_space<vmem>>, vector<1x1024xf32>
      tpu.vector_store %arg4[%swap3A_61, %swap3A_62], %broadcast_in_dim3A_60 {strides = array<i32>} : memref<1x1024xf32, #tpu.memory_space<vmem>>, vector<1x1024xf32>,
      %broadcast_in_dim3A_64 = arith.constant 0.000000e+00 : f32
      %broadcast_in_dim3A_65 = vector.broadcast %broadcast_in_dim3A_64 : f32 to vector<1x1xf32>
      %swap3A_66 = arith.constant 0 : index
      %swap3A_67 = arith.constant 0 : index
      %swap3A_68 = vector.load %arg5[%swap3A_66, %swap3A_67] : memref<1x1xf32, #tpu.memory_space<vmem>>, vector<1x1xf32>
      tpu.vector_store %arg5[%swap3A_66, %swap3A_67], %broadcast_in_dim3A_65 {strides = array<i32>} : memref<1x1xf32, #tpu.memory_space<vmem>>, vector<1x1xf32>,
      %transpose3A = tpu.transpose %get3A_51, [1, 0] : vector<256x1024xf32> -> vector<1024x256xf32>
      %swap3A_69 = arith.constant 0 : index
      %swap3A_70 = arith.constant 0 : index
      %swap3A_71 = vector.load %arg6[%swap3A_69, %swap3A_70] : memref<1024x256xf32, #tpu.memory_space<vmem>>, vector<1024x256xf32>
      tpu.vector_store %arg6[%swap3A_69, %swap3A_70], %transpose3A {strides = array<i32>} : memref<1024x256xf32, #tpu.memory_space<vmem>>, vector<1024x256xf32>,
    } else {
    }
    %get3A = arith.constant 0 : index
    %get3A_2 = arith.constant 0 : index
    %get3A_3 = vector.load %arg1[%get3A, %get3A_2] : memref<1024x256xf32, #tpu.memory_space<vmem>>, vector<1024x256xf32>
    %mul3A = arith.mulf %get3A_3, %get3A_3 : vector<1024x256xf32>
    %reduce_sum3A = arith.constant dense<0.000000e+00> : vector<1024xf32>
    %reduce_sum3A_4 = vector.multi_reduction <add>, %mul3A, %reduce_sum3A [1] : vector<1024x256xf32> to vector<1024xf32>
    %broadcast_in_dim3A = vector.shape_cast %reduce_sum3A_4 : vector<1024xf32> to vector<1024x1xf32>
    %add3A = arith.addf %get3A_3, %get3A_3 : vector<1024x256xf32>
    %get3A_5 = arith.constant 0 : index
    %get3A_6 = arith.constant 0 : index
    %get3A_7 = vector.load %arg2[%get3A_5, %get3A_6] : memref<256x1024xf32, #tpu.memory_space<vmem>>, vector<256x1024xf32>
    %dot_general3A = arith.constant dense<0.000000e+00> : vector<1024x1024xf32>
    %dot_general3A_8 = tpu.matmul %add3A, %get3A_7, %dot_general3A {dimension_numbers = #tpu.dot_dimension_numbers<[1], [0], [0], [1], [0, 0, 1, 1], [], []>, transpose_lhs_hint = false} : vector<1024x256xf32>, vector<256x1024xf32>, vector<1024x1024xf32> -> vector<1024x1024xf32>
    %sub3A = vector.broadcast %broadcast_in_dim3A : vector<1024x1xf32> to vector<1024x1024xf32>
    %sub3A_9 = arith.subf %sub3A, %dot_general3A_8 : vector<1024x1024xf32>
    %get3A_10 = arith.constant 0 : index
    %get3A_11 = arith.constant 0 : index
    %get3A_12 = vector.load %arg7[%get3A_10, %get3A_11] : memref<1x1024xf32, #tpu.memory_space<vmem>>, vector<1x1024xf32>
    %add3A_13 = vector.broadcast %get3A_12 : vector<1x1024xf32> to vector<1024x1024xf32>
    %add3A_14 = arith.addf %sub3A_9, %add3A_13 : vector<1024x1024xf32>
    %reduce_min3A = arith.constant dense<0x7F800000> : vector<1024xf32>
    %reduce_min3A_15 = vector.multi_reduction <minimumf>, %add3A_14, %reduce_min3A [1] : vector<1024x1024xf32> to vector<1024xf32>
    %broadcast_in_dim3A_16 = vector.shape_cast %reduce_min3A_15 : vector<1024xf32> to vector<1024x1xf32>
    %eq3A_17 = vector.broadcast %broadcast_in_dim3A_16 : vector<1024x1xf32> to vector<1024x1024xf32>
    %eq3A_18 = arith.cmpf oeq, %add3A_14, %eq3A_17 : vector<1024x1024xf32>
    %iota3A = tpu.iota {dimensions = array<i32: 1>} : vector<1024x1024xi32>
    %convert_element_type3A_19 = arith.sitofp %iota3A : vector<1024x1024xi32> to vector<1024x1024xf32>
    %jit3A = arith.constant 1.07374182E+9 : f32
    %broadcast_in_dim3A_20 = vector.broadcast %jit3A : f32 to vector<1024x1024xf32>
    %select_n3A = arith.select %eq3A_18, %convert_element_type3A_19, %broadcast_in_dim3A_20 : vector<1024x1024xi1>, vector<1024x1024xf32>
    %reduce_min3A_21 = arith.constant dense<0x7F800000> : vector<1024xf32>
    %reduce_min3A_22 = vector.multi_reduction <minimumf>, %select_n3A, %reduce_min3A_21 [1] : vector<1024x1024xf32> to vector<1024xf32>
    %convert_element_type3A_23 = arith.fptosi %reduce_min3A_22 : vector<1024xf32> to vector<1024xi32>
    %swap3A = arith.constant 0 : index
    %swap3A_24 = vector.load %arg3[%swap3A] : memref<1024xi32, #tpu.memory_space<vmem>>, vector<1024xi32>
    tpu.vector_store %arg3[%swap3A], %convert_element_type3A_23 {strides = array<i32>} : memref<1024xi32, #tpu.memory_space<vmem>>, vector<1024xi32>,
    %get3A_25 = arith.constant 0 : index
    %get3A_26 = arith.constant 0 : index
    %get3A_27 = vector.load %arg4[%get3A_25, %get3A_26] : memref<1x1024xf32, #tpu.memory_space<vmem>>, vector<1x1024xf32>
    %convert_element_type3A_28 = arith.extui %eq3A_18 : vector<1024x1024xi1> to vector<1024x1024xi32>
    %convert_element_type3A_29 = arith.sitofp %convert_element_type3A_28 : vector<1024x1024xi32> to vector<1024x1024xf32>
    %reduce_sum3A_30 = arith.constant dense<0.000000e+00> : vector<1024xf32>
    %reduce_sum3A_31 = vector.multi_reduction <add>, %convert_element_type3A_29, %reduce_sum3A_30 [0] : vector<1024x1024xf32> to vector<1024xf32>
    %broadcast_in_dim3A_32 = vector.shape_cast %reduce_sum3A_31 : vector<1024xf32> to vector<1x1024xf32>
    %add3A_33 = arith.addf %get3A_27, %broadcast_in_dim3A_32 : vector<1x1024xf32>
    %swap3A_34 = arith.constant 0 : index
    %swap3A_35 = arith.constant 0 : index
    %swap3A_36 = vector.load %arg4[%swap3A_34, %swap3A_35] : memref<1x1024xf32, #tpu.memory_space<vmem>>, vector<1x1024xf32>
    tpu.vector_store %arg4[%swap3A_34, %swap3A_35], %add3A_33 {strides = array<i32>} : memref<1x1024xf32, #tpu.memory_space<vmem>>, vector<1x1024xf32>,
    %get3A_37 = arith.constant 0 : index
    %get3A_38 = arith.constant 0 : index
    %get3A_39 = vector.load %arg5[%get3A_37, %get3A_38] : memref<1x1xf32, #tpu.memory_space<vmem>>, vector<1x1xf32>
    %reduce_sum3A_40 = vector.shape_cast %broadcast_in_dim3A_16 : vector<1024x1xf32> to vector<1x1024x1xf32>
    %reduce_sum3A_41 = arith.constant dense<0.000000e+00> : vector<1xf32>
    %reduce_sum3A_42 = vector.multi_reduction <add>, %reduce_sum3A_40, %reduce_sum3A_41 [1, 2] : vector<1x1024x1xf32> to vector<1xf32>
    %reduce_sum3A_43 = vector.shape_cast %reduce_sum3A_42 : vector<1xf32> to vector<1x1x1xf32>
    %reduce_sum3A_44 = vector.extract %reduce_sum3A_43[0, 0, 0] : f32 from vector<1x1x1xf32>
    %reshape3A = vector.broadcast %reduce_sum3A_44 : f32 to vector<1x1xf32>
    %add3A_45 = arith.addf %get3A_39, %reshape3A : vector<1x1xf32>
    %swap3A_46 = arith.constant 0 : index
    %swap3A_47 = arith.constant 0 : index
    %swap3A_48 = vector.load %arg5[%swap3A_46, %swap3A_47] : memref<1x1xf32, #tpu.memory_space<vmem>>, vector<1x1xf32>
    tpu.vector_store %arg5[%swap3A_46, %swap3A_47], %add3A_45 {strides = array<i32>} : memref<1x1xf32, #tpu.memory_space<vmem>>, vector<1x1xf32>,
    return
  }
  func.func @transform_0(%arg0: i32) -> (i32, i32) {
    %add3A = arith.constant 0 : i32
    %add3A_0 = arith.addi %add3A, %arg0 : i32
    %c0_i32 = arith.constant 0 : i32
    %c0_i32_1 = arith.constant 0 : i32
    return %add3A_0, %c0_i32 : i32, i32
  }
  func.func @transform_1(%arg0: i32) -> (i32, i32) {
    %c0_i32 = arith.constant 0 : i32
    %c0_i32_0 = arith.constant 0 : i32
    %c0_i32_1 = arith.constant 0 : i32
    return %c0_i32, %c0_i32_0 : i32, i32
  }
  func.func @transform_2(%arg0: i32) -> i32 {
    %c0_i32 = arith.constant 0 : i32
    return %arg0 : i32
  }
  func.func @transform_3(%arg0: i32) -> (i32, i32) {
    %c0_i32 = arith.constant 0 : i32
    %c0_i32_0 = arith.constant 0 : i32
    %c0_i32_1 = arith.constant 0 : i32
    return %c0_i32, %c0_i32_0 : i32, i32
  }
  func.func @transform_4(%arg0: i32) -> (i32, i32) {
    %c0_i32 = arith.constant 0 : i32
    %c0_i32_0 = arith.constant 0 : i32
    %c0_i32_1 = arith.constant 0 : i32
    return %c0_i32, %c0_i32_0 : i32, i32
  }
  func.func @transform_5(%arg0: i32) -> (i32, i32) {
    %c0_i32 = arith.constant 0 : i32
    %c0_i32_0 = arith.constant 0 : i32
    %c0_i32_1 = arith.constant 0 : i32
    return %c0_i32, %c0_i32_0 : i32, i32
  }
}

module attributes {stable_mosaic.version = 14 : i64} {
  func.func @_scalar_body(%arg0: memref<1x1024xf32, #tpu.memory_space<vmem>>, %arg1: memref<1x1024xf32, #tpu.memory_space<vmem>>, %arg2: memref<1x1xf32, #tpu.memory_space<vmem>>, %arg3: memref<1x1xf32, #tpu.memory_space<vmem>>, %arg4: memref<1x1xf32, #tpu.memory_space<vmem>>, %arg5: memref<1x1xf32, #tpu.memory_space<vmem>>, %arg6: memref<1x1xf32, #tpu.memory_space<vmem>>) attributes {dimension_semantics = [], scalar_prefetch = 0 : i64, scratch_operands = 0 : i64, tpu.core_type = #tpu.core_type<tc>} {
    %get3A = arith.constant 0 : index
    %get3A_0 = arith.constant 0 : index
    %get3A_1 = vector.load %arg0[%get3A, %get3A_0] : memref<1x1024xf32, #tpu.memory_space<vmem>>, vector<1x1024xf32>
    %get3A_2 = arith.constant 0 : index
    %get3A_3 = arith.constant 0 : index
    %get3A_4 = vector.load %arg1[%get3A_2, %get3A_3] : memref<1x1024xf32, #tpu.memory_space<vmem>>, vector<1x1024xf32>
    %add3A = arith.addf %get3A_1, %get3A_4 : vector<1x1024xf32>
    %div3A = arith.constant 9.216000e+03 : f32
    %div3A_5 = vector.broadcast %div3A : f32 to vector<1x1024xf32>
    %div3A_6 = arith.divf %add3A, %div3A_5 : vector<1x1024xf32>
    %add3A_7 = arith.constant 1.000000e-10 : f32
    %add3A_8 = vector.broadcast %add3A_7 : f32 to vector<1x1024xf32>
    %add3A_9 = arith.addf %div3A_6, %add3A_8 : vector<1x1024xf32>
    %log3A = math.log %add3A_9 : vector<1x1024xf32>
    %mul3A = arith.mulf %div3A_6, %log3A : vector<1x1024xf32>
    %reduce_sum3A = vector.shape_cast %mul3A : vector<1x1024xf32> to vector<1x1x1024xf32>
    %reduce_sum3A_10 = arith.constant dense<0.000000e+00> : vector<1xf32>
    %reduce_sum3A_11 = vector.multi_reduction <add>, %reduce_sum3A, %reduce_sum3A_10 [1, 2] : vector<1x1x1024xf32> to vector<1xf32>
    %reduce_sum3A_12 = vector.shape_cast %reduce_sum3A_11 : vector<1xf32> to vector<1x1x1xf32>
    %reduce_sum3A_13 = vector.extract %reduce_sum3A_12[0, 0, 0] : f32 from vector<1x1x1xf32>
    %neg3A = arith.constant 0.000000e+00 : f32
    %neg3A_14 = arith.subf %neg3A, %reduce_sum3A_13 : f32
    %exp3A = math.exp %neg3A_14 : f32
    %reshape3A = vector.broadcast %exp3A : f32 to vector<1x1xf32>
    %swap3A = arith.constant 0 : index
    %swap3A_15 = arith.constant 0 : index
    %swap3A_16 = vector.load %arg4[%swap3A, %swap3A_15] : memref<1x1xf32, #tpu.memory_space<vmem>>, vector<1x1xf32>
    tpu.vector_store %arg4[%swap3A, %swap3A_15], %reshape3A {strides = array<i32>} : memref<1x1xf32, #tpu.memory_space<vmem>>, vector<1x1xf32>,
    %get3A_17 = arith.constant 0 : index
    %get3A_18 = arith.constant 0 : index
    %get3A_19 = vector.load %arg2[%get3A_17, %get3A_18] : memref<1x1xf32, #tpu.memory_space<vmem>>, vector<1x1xf32>
    %get3A_20 = arith.constant 0 : index
    %get3A_21 = arith.constant 0 : index
    %get3A_22 = vector.load %arg3[%get3A_20, %get3A_21] : memref<1x1xf32, #tpu.memory_space<vmem>>, vector<1x1xf32>
    %add3A_23 = arith.addf %get3A_19, %get3A_22 : vector<1x1xf32>
    %div3A_24 = arith.constant 0x4A100000 : f32
    %div3A_25 = vector.broadcast %div3A_24 : f32 to vector<1x1xf32>
    %div3A_26 = arith.divf %add3A_23, %div3A_25 : vector<1x1xf32>
    %swap3A_27 = arith.constant 0 : index
    %swap3A_28 = arith.constant 0 : index
    %swap3A_29 = vector.load %arg5[%swap3A_27, %swap3A_28] : memref<1x1xf32, #tpu.memory_space<vmem>>, vector<1x1xf32>
    tpu.vector_store %arg5[%swap3A_27, %swap3A_28], %div3A_26 {strides = array<i32>} : memref<1x1xf32, #tpu.memory_space<vmem>>, vector<1x1xf32>,
    %mul3A_30 = arith.constant 2.500000e-01 : f32
    %mul3A_31 = vector.broadcast %mul3A_30 : f32 to vector<1x1xf32>
    %mul3A_32 = arith.mulf %mul3A_31, %div3A_26 : vector<1x1xf32>
    %swap3A_33 = arith.constant 0 : index
    %swap3A_34 = arith.constant 0 : index
    %swap3A_35 = vector.load %arg6[%swap3A_33, %swap3A_34] : memref<1x1xf32, #tpu.memory_space<vmem>>, vector<1x1xf32>
    tpu.vector_store %arg6[%swap3A_33, %swap3A_34], %mul3A_32 {strides = array<i32>} : memref<1x1xf32, #tpu.memory_space<vmem>>, vector<1x1xf32>,
    return
  }
}

module attributes {stable_mosaic.version = 14 : i64} {
  func.func @body(%arg0: i32, %arg1: memref<1024x256xf32, #tpu.memory_space<vmem>>, %arg2: memref<256x1024xf32, #tpu.memory_space<vmem>>, %arg3: memref<1024xi32, #tpu.memory_space<vmem>>, %arg4: memref<1x1024xf32, #tpu.memory_space<vmem>>, %arg5: memref<1x1xf32, #tpu.memory_space<vmem>>, %arg6: memref<1x1024xf32, #tpu.memory_space<vmem>>) attributes {dimension_semantics = [#tpu.dimension_semantics<arbitrary>], iteration_bounds = array<i64: 3>, scalar_prefetch = 0 : i64, scratch_operands = 1 : i64, tpu.core_type = #tpu.core_type<tc>, window_params = [{transform_indices = @transform_0, window_bounds = array<i64: 1024, 256>}, {pipeline_mode = #tpu.pipeline_mode<synchronous>, transform_indices = @transform_1, window_bounds = array<i64: 256, 1024>}, {transform_indices = @transform_2, window_bounds = array<i64: 1024>}, {pipeline_mode = #tpu.pipeline_mode<synchronous>, transform_indices = @transform_3, window_bounds = array<i64: 1, 1024>}, {pipeline_mode = #tpu.pipeline_mode<synchronous>, transform_indices = @transform_4, window_bounds = array<i64: 1, 1>}]} {
    %eq3A = arith.constant 0 : i32
    %eq3A_0 = arith.cmpi eq, %arg0, %eq3A : i32
    %convert_element_type3A = arith.extui %eq3A_0 : i1 to i32
    %cond3A = arith.constant 0 : i32
    %cond3A_1 = arith.cmpi ne, %convert_element_type3A, %cond3A : i32
    scf.if %cond3A_1 {
      %get3A_49 = arith.constant 0 : index
      %get3A_50 = arith.constant 0 : index
      %get3A_51 = vector.load %arg2[%get3A_49, %get3A_50] : memref<256x1024xf32, #tpu.memory_space<vmem>>, vector<256x1024xf32>
      %mul3A_52 = arith.mulf %get3A_51, %get3A_51 : vector<256x1024xf32>
      %reduce_sum3A_53 = arith.constant dense<0.000000e+00> : vector<1024xf32>
      %reduce_sum3A_54 = vector.multi_reduction <add>, %mul3A_52, %reduce_sum3A_53 [0] : vector<256x1024xf32> to vector<1024xf32>
      %broadcast_in_dim3A_55 = vector.shape_cast %reduce_sum3A_54 : vector<1024xf32> to vector<1x1024xf32>
      %swap3A_56 = arith.constant 0 : index
      %swap3A_57 = arith.constant 0 : index
      %swap3A_58 = vector.load %arg6[%swap3A_56, %swap3A_57] : memref<1x1024xf32, #tpu.memory_space<vmem>>, vector<1x1024xf32>
      tpu.vector_store %arg6[%swap3A_56, %swap3A_57], %broadcast_in_dim3A_55 {strides = array<i32>} : memref<1x1024xf32, #tpu.memory_space<vmem>>, vector<1x1024xf32>,
      %broadcast_in_dim3A_59 = arith.constant 0.000000e+00 : f32
      %broadcast_in_dim3A_60 = vector.broadcast %broadcast_in_dim3A_59 : f32 to vector<1x1024xf32>
      %swap3A_61 = arith.constant 0 : index
      %swap3A_62 = arith.constant 0 : index
      %swap3A_63 = vector.load %arg4[%swap3A_61, %swap3A_62] : memref<1x1024xf32, #tpu.memory_space<vmem>>, vector<1x1024xf32>
      tpu.vector_store %arg4[%swap3A_61, %swap3A_62], %broadcast_in_dim3A_60 {strides = array<i32>} : memref<1x1024xf32, #tpu.memory_space<vmem>>, vector<1x1024xf32>,
      %broadcast_in_dim3A_64 = arith.constant 0.000000e+00 : f32
      %broadcast_in_dim3A_65 = vector.broadcast %broadcast_in_dim3A_64 : f32 to vector<1x1xf32>
      %swap3A_66 = arith.constant 0 : index
      %swap3A_67 = arith.constant 0 : index
      %swap3A_68 = vector.load %arg5[%swap3A_66, %swap3A_67] : memref<1x1xf32, #tpu.memory_space<vmem>>, vector<1x1xf32>
      tpu.vector_store %arg5[%swap3A_66, %swap3A_67], %broadcast_in_dim3A_65 {strides = array<i32>} : memref<1x1xf32, #tpu.memory_space<vmem>>, vector<1x1xf32>,
    } else {
    }
    %get3A = arith.constant 0 : index
    %get3A_2 = arith.constant 0 : index
    %get3A_3 = vector.load %arg1[%get3A, %get3A_2] : memref<1024x256xf32, #tpu.memory_space<vmem>>, vector<1024x256xf32>
    %mul3A = arith.mulf %get3A_3, %get3A_3 : vector<1024x256xf32>
    %reduce_sum3A = arith.constant dense<0.000000e+00> : vector<1024xf32>
    %reduce_sum3A_4 = vector.multi_reduction <add>, %mul3A, %reduce_sum3A [1] : vector<1024x256xf32> to vector<1024xf32>
    %broadcast_in_dim3A = vector.shape_cast %reduce_sum3A_4 : vector<1024xf32> to vector<1024x1xf32>
    %add3A = arith.addf %get3A_3, %get3A_3 : vector<1024x256xf32>
    %get3A_5 = arith.constant 0 : index
    %get3A_6 = arith.constant 0 : index
    %get3A_7 = vector.load %arg2[%get3A_5, %get3A_6] : memref<256x1024xf32, #tpu.memory_space<vmem>>, vector<256x1024xf32>
    %dot_general3A = arith.constant dense<0.000000e+00> : vector<1024x1024xf32>
    %dot_general3A_8 = tpu.matmul %add3A, %get3A_7, %dot_general3A {dimension_numbers = #tpu.dot_dimension_numbers<[1], [0], [0], [1], [0, 0, 1, 1], [], []>, transpose_lhs_hint = false} : vector<1024x256xf32>, vector<256x1024xf32>, vector<1024x1024xf32> -> vector<1024x1024xf32>
    %sub3A = vector.broadcast %broadcast_in_dim3A : vector<1024x1xf32> to vector<1024x1024xf32>
    %sub3A_9 = arith.subf %sub3A, %dot_general3A_8 : vector<1024x1024xf32>
    %get3A_10 = arith.constant 0 : index
    %get3A_11 = arith.constant 0 : index
    %get3A_12 = vector.load %arg6[%get3A_10, %get3A_11] : memref<1x1024xf32, #tpu.memory_space<vmem>>, vector<1x1024xf32>
    %add3A_13 = vector.broadcast %get3A_12 : vector<1x1024xf32> to vector<1024x1024xf32>
    %add3A_14 = arith.addf %sub3A_9, %add3A_13 : vector<1024x1024xf32>
    %reduce_min3A = arith.constant dense<0x7F800000> : vector<1024xf32>
    %reduce_min3A_15 = vector.multi_reduction <minimumf>, %add3A_14, %reduce_min3A [1] : vector<1024x1024xf32> to vector<1024xf32>
    %broadcast_in_dim3A_16 = vector.shape_cast %reduce_min3A_15 : vector<1024xf32> to vector<1024x1xf32>
    %eq3A_17 = vector.broadcast %broadcast_in_dim3A_16 : vector<1024x1xf32> to vector<1024x1024xf32>
    %eq3A_18 = arith.cmpf oeq, %add3A_14, %eq3A_17 : vector<1024x1024xf32>
    %iota3A = tpu.iota {dimensions = array<i32: 1>} : vector<1024x1024xi32>
    %convert_element_type3A_19 = arith.sitofp %iota3A : vector<1024x1024xi32> to vector<1024x1024xf32>
    %jit3A = arith.constant 1.07374182E+9 : f32
    %broadcast_in_dim3A_20 = vector.broadcast %jit3A : f32 to vector<1024x1024xf32>
    %select_n3A = arith.select %eq3A_18, %convert_element_type3A_19, %broadcast_in_dim3A_20 : vector<1024x1024xi1>, vector<1024x1024xf32>
    %reduce_min3A_21 = arith.constant dense<0x7F800000> : vector<1024xf32>
    %reduce_min3A_22 = vector.multi_reduction <minimumf>, %select_n3A, %reduce_min3A_21 [1] : vector<1024x1024xf32> to vector<1024xf32>
    %convert_element_type3A_23 = arith.fptosi %reduce_min3A_22 : vector<1024xf32> to vector<1024xi32>
    %swap3A = arith.constant 0 : index
    %swap3A_24 = vector.load %arg3[%swap3A] : memref<1024xi32, #tpu.memory_space<vmem>>, vector<1024xi32>
    tpu.vector_store %arg3[%swap3A], %convert_element_type3A_23 {strides = array<i32>} : memref<1024xi32, #tpu.memory_space<vmem>>, vector<1024xi32>,
    %get3A_25 = arith.constant 0 : index
    %get3A_26 = arith.constant 0 : index
    %get3A_27 = vector.load %arg4[%get3A_25, %get3A_26] : memref<1x1024xf32, #tpu.memory_space<vmem>>, vector<1x1024xf32>
    %convert_element_type3A_28 = arith.extui %eq3A_18 : vector<1024x1024xi1> to vector<1024x1024xi32>
    %convert_element_type3A_29 = arith.sitofp %convert_element_type3A_28 : vector<1024x1024xi32> to vector<1024x1024xf32>
    %reduce_sum3A_30 = arith.constant dense<0.000000e+00> : vector<1024xf32>
    %reduce_sum3A_31 = vector.multi_reduction <add>, %convert_element_type3A_29, %reduce_sum3A_30 [0] : vector<1024x1024xf32> to vector<1024xf32>
    %broadcast_in_dim3A_32 = vector.shape_cast %reduce_sum3A_31 : vector<1024xf32> to vector<1x1024xf32>
    %add3A_33 = arith.addf %get3A_27, %broadcast_in_dim3A_32 : vector<1x1024xf32>
    %swap3A_34 = arith.constant 0 : index
    %swap3A_35 = arith.constant 0 : index
    %swap3A_36 = vector.load %arg4[%swap3A_34, %swap3A_35] : memref<1x1024xf32, #tpu.memory_space<vmem>>, vector<1x1024xf32>
    tpu.vector_store %arg4[%swap3A_34, %swap3A_35], %add3A_33 {strides = array<i32>} : memref<1x1024xf32, #tpu.memory_space<vmem>>, vector<1x1024xf32>,
    %get3A_37 = arith.constant 0 : index
    %get3A_38 = arith.constant 0 : index
    %get3A_39 = vector.load %arg5[%get3A_37, %get3A_38] : memref<1x1xf32, #tpu.memory_space<vmem>>, vector<1x1xf32>
    %reduce_sum3A_40 = vector.shape_cast %broadcast_in_dim3A_16 : vector<1024x1xf32> to vector<1x1024x1xf32>
    %reduce_sum3A_41 = arith.constant dense<0.000000e+00> : vector<1xf32>
    %reduce_sum3A_42 = vector.multi_reduction <add>, %reduce_sum3A_40, %reduce_sum3A_41 [1, 2] : vector<1x1024x1xf32> to vector<1xf32>
    %reduce_sum3A_43 = vector.shape_cast %reduce_sum3A_42 : vector<1xf32> to vector<1x1x1xf32>
    %reduce_sum3A_44 = vector.extract %reduce_sum3A_43[0, 0, 0] : f32 from vector<1x1x1xf32>
    %reshape3A = vector.broadcast %reduce_sum3A_44 : f32 to vector<1x1xf32>
    %add3A_45 = arith.addf %get3A_39, %reshape3A : vector<1x1xf32>
    %swap3A_46 = arith.constant 0 : index
    %swap3A_47 = arith.constant 0 : index
    %swap3A_48 = vector.load %arg5[%swap3A_46, %swap3A_47] : memref<1x1xf32, #tpu.memory_space<vmem>>, vector<1x1xf32>
    tpu.vector_store %arg5[%swap3A_46, %swap3A_47], %add3A_45 {strides = array<i32>} : memref<1x1xf32, #tpu.memory_space<vmem>>, vector<1x1xf32>,
    return
  }
  func.func @transform_0(%arg0: i32) -> (i32, i32) {
    %add3A = arith.constant 6 : i32
    %add3A_0 = arith.addi %add3A, %arg0 : i32
    %c0_i32 = arith.constant 0 : i32
    %c0_i32_1 = arith.constant 0 : i32
    return %add3A_0, %c0_i32 : i32, i32
  }
  func.func @transform_1(%arg0: i32) -> (i32, i32) {
    %c0_i32 = arith.constant 0 : i32
    %c0_i32_0 = arith.constant 0 : i32
    %c0_i32_1 = arith.constant 0 : i32
    return %c0_i32, %c0_i32_0 : i32, i32
  }
  func.func @transform_2(%arg0: i32) -> i32 {
    %c0_i32 = arith.constant 0 : i32
    return %arg0 : i32
  }
  func.func @transform_3(%arg0: i32) -> (i32, i32) {
    %c0_i32 = arith.constant 0 : i32
    %c0_i32_0 = arith.constant 0 : i32
    %c0_i32_1 = arith.constant 0 : i32
    return %c0_i32, %c0_i32_0 : i32, i32
  }
  func.func @transform_4(%arg0: i32) -> (i32, i32) {
    %c0_i32 = arith.constant 0 : i32
    %c0_i32_0 = arith.constant 0 : i32
    %c0_i32_1 = arith.constant 0 : i32
    return %c0_i32, %c0_i32_0 : i32, i32
  }
}

</mosaic_0001>

<sc_bundles>
// kernel: kernel.10.cloned.1.call-start
scs
__scs_entry_jumppad:
0x0: {  	(pc) =	sbr.rel $0x88, $3  }
0x1: {  	(tag) =	ssettag $0x0;
	lr =	simm.s32 $0x1  }
0x2: {  	[smem:$0x3F9F] =	sst lr;
	_ =	strace $0xD0000000  }
0x3: {  	_ = 	snop  }
0x4: {  	_ = 	snop  }
0x5: {  	_ = 	snop  }
0x6: {  	_ = 	snop  }
0x7: {  	_ = 	snop  }
__scs_overlays_trampoline_lowered:
0x8: {  	[smem:$0x3FAE] =	sst s0  }
0x9: {  	[smem:$0x3FAF] =	sst s1  }
0xa: {  	[smem:$0x3FB0] =	sst s2  }
0xb: {  	[smem:$0x3FB1] =	sst s3  }
0xc: {  	[smem:$0x3FB2] =	sst s4  }
0xd: {  	[smem:$0x3FB3] =	sst s5  }
0xe: {  	[smem:$0x3FB4] =	sst s6  }
0xf: {  	[smem:$0x3FB5] =	sst s7  }
0x10: {  	[smem:$0x3FB6] =	sst s8  }
0x11: {  	[smem:$0x3FB7] =	sst s9;
	s0 =	simm.s32 @!p0 $0x0  }
0x12: {  	s1 =	sld [smem:$0x3F9D];
	s0 =	simm.s32 @p0 $0x1  }
0x13: {  	[smem:$0x3FB8] =	sst s0;
	s0 =	simm.s32 @!p1 $0x0  }
0x14: {  	s2 =	sld [smem:$0x3F9C];
	s0 =	simm.s32 @p1 $0x1  }
0x15: {  	[smem:$0x3FB9] =	sst s0;
	s0 =	simm.s32 @!p2 $0x0  }
0x16: {  	s3 =	sld [smem:$0x3FDB];
	s0 =	simm.s32 @p2 $0x1  }
0x17: {  	s4 =	simm.s32 $0x1BF5;
	[smem:$0x3FBB] =	sst s0  }
0x18: {  	s0 =	sld [smem:$0x3F9E];
	_ =	swait.ge [sflag:s4], $0x0  }
0x19: {  	s7 =	sld [smem:$0x3F9F]  }
0x1a: {  	s8 =	sadd.s32 $0xFFFFE003, lr  }
0x1b: {  	s9 =	sadd.s32 $0xFFFFFEF7, lr;
	s5 =	simm.s32 $0xFFFFFFFF;
	p2 =	slt.u32 s8, $0xFFFFF086  }
0x1c: {  	p1 =	slt.u32 s9, $0xF7A;
	s5 =	simm.s32 @!p2 $0x0  }
0x1d: {  	s5 =	simm.s32 @p1 $0x1;
	p0 =	seq.s32 s7, s2  }
0x1e: {  	s7 =	smul.u32 @!p0 $0xF7A, s2;
	p2 =	seq.s32 @!p0 s5, $0x0  }
0x1f: {  	s9 =	smul.u32 $0xF7A, s1;
	s8 =	simm.s32 @!p0 $0x1BF5;
	p2 =	por !p2, p0  }
0x20: {  	[sflag:s8] =	ssyncset.s32 @!p0 $0xFFFFF086;
	s6 =	sadd.s32 @!p0 s3, s7;
	s7 =	simm.s32 @!p0 $0x108  }
0x21: {  	s3 =	sadd.s32 s3, s9;
	s6 =	sadd.s32 @!p0 $0x88, s6;
	s7 =	simm.s32 @p2 $0x1082  }
0x22: {  	[simem:s7], [sflag:s8] =	dma.local @!p0 [hbm:s6], $0xF7A  }
0x23: {  	s9 =	sor.u32 $0xD0000000, s2;
	s6 =	simm.s32 $0x108;
	_ =	swait.ge @!p0 [sflag:s8], $0x0  }
0x24: {  	s3 =	sadd.s32 $0x88, s3;
	s6 =	simm.s32 @!p1 $0x1082;
	[sflag:s4] =	ssyncset.s32 $0xFFFFF086  }
0x25: {  	[simem:s6], [sflag:s4] =	dma.local [hbm:s3], $0xF7A  }
0x26: {  	[smem:$0x3F9F] =	sst s1;
	(tag) =	ssettag s2;
	_ =	strace s9  }
0x27: {  	s1 =	sld [smem:$0x3FAF]  }
0x28: {  	s2 =	sld [smem:$0x3FB0]  }
0x29: {  	s4 =	sld [smem:$0x3FB2]  }
0x2a: {  	p0 =	seq.s32 s5, $0x0;
	s5 =	sld [smem:$0x3FB3]  }
0x2b: {  	s6 =	sld [smem:$0x3FB4]  }
0x2c: {  	s7 =	sld [smem:$0x3FB5]  }
0x2d: {  	s3 =	simm.s32 $0x108;
	s8 =	sld [smem:$0x3FB6]  }
0x2e: {  	s3 =	simm.s32 @!p0 $0x1082;
	s9 =	sld [smem:$0x3FB7]  }
0x2f: {  	lr =	sadd.s32 s0, s3;
	s0 =	sld [smem:$0x3FAE]  }
0x30: {  	s3 =	sld [smem:$0x3FB1]  }
0x31: {  	[smem:$0x3FBA] =	sst s10  }
0x32: {  	s10 =	sld [smem:$0x3FB8];
	_ =	sdelay $0x3  }
0x33: {  	p0 =	seq.s32 s10, $0x1;
	s10 =	sld [smem:$0x3FBA];
	_ =	sdelay $0x3  }
0x34: {  	[smem:$0x3FBA] =	sst s10  }
0x35: {  	s10 =	sld [smem:$0x3FB9];
	_ =	sdelay $0x3  }
0x36: {  	p1 =	seq.s32 s10, $0x1;
	s10 =	sld [smem:$0x3FBA];
	_ =	sdelay $0x3  }
0x37: {  	[smem:$0x3FBA] =	sst s10  }
0x38: {  	s10 =	sld [smem:$0x3FBB]  }
0x39: {  	_ = 	snop;
	(pc) =	sbr.ind lr, $3  }
0x3a: {  	_ = 	snop  }
0x3b: {  	_ = 	snop  }
0x3c: {  	p2 =	seq.s32 s10, $0x1;
	s10 =	sld [smem:$0x3FBA]  }
0x3d: {  	_ =	shalt  }
0x3e: {  	_ =	shalt  }
0x3f: {  	_ =	shalt  }
0x40: {  	_ =	shalt  }
0x41: {  	_ =	shalt  }
0x42: {  	_ =	shalt  }
0x43: {  	_ =	shalt  }
0x44: {  	_ =	shalt  }
0x45: {  	_ =	shalt  }
0x46: {  	_ =	shalt  }
0x47: {  	_ =	shalt  }
0x48: {  	_ =	shalt  }
0x49: {  	_ =	shalt  }
0x4a: {  	_ =	shalt  }
0x4b: {  	_ =	shalt  }
0x4c: {  	_ =	shalt  }
0x4d: {  	_ =	shalt  }
0x4e: {  	_ =	shalt  }
0x4f: {  	_ =	shalt  }
0x50: {  	_ =	shalt  }
0x51: {  	_ =	shalt  }
0x52: {  	_ =	shalt  }
0x53: {  	_ =	shalt  }
0x54: {  	_ =	shalt  }
0x55: {  	_ =	shalt  }
0x56: {  	_ =	shalt  }
0x57: {  	_ =	shalt  }
0x58: {  	_ =	shalt  }
0x59: {  	_ =	shalt  }
0x5a: {  	_ =	shalt  }
0x5b: {  	_ =	shalt  }
0x5c: {  	_ =	shalt  }
0x5d: {  	_ =	shalt  }
0x5e: {  	_ =	shalt  }
0x5f: {  	_ =	shalt  }
0x60: {  	_ =	shalt  }
0x61: {  	_ =	shalt  }
0x62: {  	_ =	shalt  }
0x63: {  	_ =	shalt  }
0x64: {  	_ =	shalt  }
0x65: {  	_ =	shalt  }
0x66: {  	_ =	shalt  }
0x67: {  	_ =	shalt  }
0x68: {  	_ =	shalt  }
0x69: {  	_ =	shalt  }
0x6a: {  	_ =	shalt  }
0x6b: {  	_ =	shalt  }
0x6c: {  	_ =	shalt  }
0x6d: {  	_ =	shalt  }
0x6e: {  	_ =	shalt  }
0x6f: {  	_ =	shalt  }
0x70: {  	_ =	shalt  }
0x71: {  	_ =	shalt  }
0x72: {  	_ =	shalt  }
0x73: {  	_ =	shalt  }
0x74: {  	_ =	shalt  }
0x75: {  	_ =	shalt  }
0x76: {  	_ =	shalt  }
0x77: {  	_ =	shalt  }
0x78: {  	_ =	shalt  }
0x79: {  	_ =	shalt  }
0x7a: {  	_ =	shalt  }
0x7b: {  	_ =	shalt  }
0x7c: {  	_ =	shalt  }
0x7d: {  	_ =	shalt  }
0x7e: {  	_ =	shalt  }
0x7f: {  	_ =	shalt  }
0x80: {  	_ =	shalt  }
0x81: {  	_ =	shalt  }
0x82: {  	_ =	shalt  }
0x83: {  	_ =	shalt  }
0x84: {  	_ =	shalt  }
0x85: {  	_ =	shalt  }
0x86: {  	_ =	shalt  }
0x87: {  	_ =	shalt  }
.Lfunc_end0:
.L_simem_size_0:
called_computation.1_lowered:
.L_overlay_start_0:
0x88: {  	s2 =	sld [smem:$0x3FD9]  }
0x89: {  	s3 =	sld [smem:$0x3FFE];
	_ =	sdelay $0x1  }
0x8a: {  	s1 =	srdreg.scid  }
0x8b: {  	s0 =	sand.u32 $0x1, s1  }
0x8c: {  	s14 =	sshll.u32 s0, $0xA;
	s2 =	sadd.s32 s3, s2  }
0x8d: {  	s2 =	sadd.s32 s2, s14  }
0x8e: {  	[smem:$0x3FC6] =	sst s2  }
0x8f: {  	_ = 	snop  }
0x90: {  	s2 =	sld [smem:$0x3FD0];
	_ =	sdelay $0x2  }
0x91: {  	s15 =	simm.s32 $0xA;
	s4 =	simm.s32 $0x10  }
0x92: {  	[smem:s4], [sflag:s15] =	dma.local [hbm:s2], $0x1  }
0x93: {  	_ =	swait.eq [sflag:s15], $0x1  }
0x94: {  	[sflag:s15] =	ssyncset.done $0x0  }
0x95: {  	[sflag:s15] =	ssyncadd.s32 $0xFFFFFFFF  }
0x96: {  	s16 =	sld [smem:$0x10];
	(tm) =	ssettm $0x1  }
0x97: {  	s17 =	sld [smem:$0x3FFB];
	_ =	sdelay $0x3  }
0x98: {  	_ =	strace s17  }
0x99: {  	s3 =	sld [smem:$0x3FFC];
	_ =	sdelay $0x3  }
0x9a: {  	_ =	strace s3  }
0x9b: {  	s3 =	sld [smem:$0x3FFD];
	_ =	sdelay $0x3  }
0x9c: {  	_ =	strace s3  }
0x9d: {  	_ =	strace $0x8FFFFFFF  }
0x9e: {  	s18 =	sld [smem:$0x3FDB];
	_ =	sdelay $0x1  }
0x9f: {  	s19 =	simm.s32 $_scs_section_size  }
0xa0: {  	s5 =	simm.s32 $_size__tile_overlayer_lowered;
	s6 =	simm.s32 $_tile_overlayer_lowered  }
0xa1: {  	s22 =	simm.s32 $0x1BFF;
	s21 =	sshll.u32 s6, $0x1;
	s3 =	sadd.s32 s19, s18  }
0xa2: {  	s7 =	simm.s32 $0x0;
	s20 =	sshll.u32 s5, $0x1;
	s5 =	sadd.s32 s21, s3  }
0xa3: {  	[timem:s7], [sflag:s22] =	dma.local [hbm:s5], s20  }
0xa4: {  	_ =	swait.ge [sflag:s22], s20  }
0xa5: {  	s4 =	ssub.s32 $0x0, s20;
	[sflag:s22] =	ssyncset.done $0x0  }
0xa6: {  	[sflag:s22] =	ssyncadd.s32 s4;
	_ =	sdelay $0x1  }
0xa7: {  	s23 =	simm.s32 $0x1B8B  }
0xa8: {  	_ =	swait.ge [sflag:s23], $0x1  }
0xa9: {  	[sflag:s23] =	ssyncset.done $0x0  }
0xaa: {  	s25 =	simm.s32 $0x1B8E;
	s24 =	sld [smem:$0x3FFE];
	[sflag:s23] =	ssyncadd.s32 $0xFFFFFFFF  }
0xab: {  	s26 =	simm.s32 $execute0_lowered;
	[smem:$0x3FD2] =	sst s25  }
0xac: {  	s5 =	sshll.u32 s26, $0x1;
	_ =	strace $0x80000049;
	[dreg:$0x1] =	wrdreg $0xFFFFFFFF  }
0xad: {  	s28 =	simm.s32 $_size_execute0_lowered;
	s3 =	sadd.s32 s3, s5;
	[dreg:$0x0] =	wrdreg $0x0  }
0xae: {  	s5 =	sshll.u32 s28, $0x1;
	[dreg:$0x2] =	wrdreg s3  }
0xaf: {  	[dreg:$0x3] =	wrdreg s5  }
0xb0: {  	[dreg:$0x4] =	wrdreg $0xC0  }
0xb1: {  	_ =	task [dreg:s7], $0x5FFFF  }
0xb2: {  	[dreg:$0x1] =	wrdreg $0xFFFFFFFF  }
0xb3: {  	[dreg:$0x0] =	wrdreg $0x60  }
0xb4: {  	[dreg:$0x2] =	wrdreg s24  }
0xb5: {  	[dreg:$0x3] =	wrdreg s16  }
0xb6: {  	[dreg:$0x4] =	wrdreg $0x9  }
0xb7: {  	_ =	task.clear_ibuf [dreg:s7], $0x5FFFF;
	_ =	strace $0x90000049  }
0xb8: {  	s29 =	simm.s32 $0x9;
	_ =	strace $0x8000004B  }
0xb9: {  	_ =	swait.ge [sflag:s29], $0x1  }
0xba: {  	[sflag:s29] =	ssyncadd.s32 $0xFFFFFFFF  }
0xbb: {  	_ =	strace $0x9000004B  }
0xbc: {  	_ =	sfence  }
0xbd: {  	s30 =	sld [smem:$0x0];
	_ =	sdelay $0x2  }
0xbe: {  	s31 =	sshll.u32 s1, $0xD;
	s1 =	sshrl.u32 s1, $0x2  }
0xbf: {  	s3 =	sand.u32 $0x4000, s31;
	s1 =	sadd.s32 s1, s30  }
0xc0: {  	s0 =	sor.u32 s3, s0;
	s1 =	sshll.u32 s1, $0x11  }
0xc1: {  	s0 =	sor.u32 s1, s0  }
0xc2: {  	s0 =	sadd.s32 $0x8F2B, s0  }
0xc3: {  	[sflag:s0] =	ssyncadd.remote.s32 $0x1  }
0xc4: {  	_ =	sfence.sel $0xFFFF  }
0xc5: {  	[dreg:$0x0] =	wrdreg $0xFFFFFFFF;
	(pc) =	sbr.abs _section_cstart, $3  }
0xc6: {  	[dreg:$0x1] =	wrdreg $0xFFFFFFFF  }
0xc7: {  	_ =	task.clear_ibuf [dreg:s7], $0x2FFFF;
	_ =	strace $0x9FFFFFFF  }
0xc8: {  	(tm) =	ssettm $0x7FFFFFFF  }
0xc9: {  	_ =	shalt  }
tec
execute0_lowered:
.L_overlay_start_1:
0x0: {  	(tag) =	ssettag $0x1  }
0x1: {  	s4 =	rddreg [dreg:$0x0];
	s1 =	srdreg.scid  }
0x2: {  	s0 =	stileid.u32;
	s5 =	rddreg [dreg:$0x1]  }
0x3: {  	s2 =	simm.s32 $0x0;
	s9 =	simm.s32 $0x880;
	s10 =	simm.s32 $0x1080  }
0x4: {  	s11 =	simm.s32 $0x1880;
	s12 =	simm.s32 $0x2080;
	s13 =	simm.s32 $0x2880  }
0x5: {  	s14 =	simm.s32 $0x3080;
	s15 =	simm.s32 $0x3880;
	s16 =	simm.s32 $0x4080  }
0x6: {  	s17 =	simm.s32 $0x4880;
	s6 =	sand.u32 $0x1, s1;
	s3 =	sshll.u32 s0, $0x1  }
0x7: {  	s18 =	simm.s32 $0x5080;
	s19 =	simm.s32 $0x5880;
	s3 =	sor.u32 s6, s3  }
0x8: {  	s20 =	simm.s32 $0x1;
	s1 =	rddreg [dreg:$0x2];
	s7 =	smul.u32 $0x6000, s3  }
0x9: {  	[smem:$0x7FF] =	sst s2;
	s6 =	ssub.s32 $0x2, s6;
	s8 =	smul.u32 $0xC, s3  }
0xa: {  	_ =	strace $0x8000004A;
	s3 =	sadd.s32 $0x2800, s4;
	s31 =	sshrl.u32 s6, $0x1  }
0xb: {  	v2 =	vlaneseq.u32;
	s6 =	ssub.s32 s6, s31;
	s7 =	sshrl.u32 s7, $0x3;
	s4 =	sadd.s32 s8, s4  }
0xc: {  	vm0 =	vmmov $0xffff;
	v1 =	vshrl.u32 v2, $0x3;
	s6 =	smax.u32 s6, $0x1;
	s8 =	simm.s32 $0x80;
	s5 =	sadd.s32 s5, s7  }
0xd: {  	v0 =	vand.u32 $0x7, v2;
	v2 =	vor.u32 $0x8, v2;
	v1 =	vmul.u32 $0x8, v1;
	s4 =	sadd.s32 $0xAE00, s4;
	s7 =	simm.s32 $0x2;
	s5 =	sadd.s32 $0x30000, s5  }
.LBB2_1:
0xe: {  	[tilespmem:s2], [sflag:$0x2] =	stream.linear.gather [hbm4b:s4+s2], $0x60, $0x38;
	[tilespmem:$0x6080] =	vst v63  }
0xf: {  	_ =	swait.ge [sflag:s7], $0x60  }
0x10: {  	[sflag:s7] =	ssyncset.done $0x0  }
0x11: {  	[sflag:s7] =	ssyncadd.s32 $0xFFFFFFA0  }
0x12: {  	v3 =	vld [tilespmem:$0x0];
	_ =	sdelay $0x4  }
0x13: {  	v4 =	vshll.u32 v3, $0x1  }
0x14: {  	v3 =	vand.u32 $0x7, v3;
	v4 =	vand.u32 $0xFFFFFFF0, v4  }
0x15: {  	v3 =	vor.u32 v3, v4  }
0x16: {  	v4 =	vperm.xlane v3, v0;
	_ =	sdelay $0x1  }
0x17: {  	v3 =	vperm.xlane v3, v2;
	v4 =	vadd.s32 v1, v4;
	_ =	sdelay $0x1  }
0x18: {  	v3 =	vadd.s32 v1, v3;
	_ =	sdelay $0x2  }
0x19: {  	[tilespmem:s8], [sflag:$0x1] =	stream.indirect_vreg.gather [hbm4b:s3+s2], $0x80, v4, vm0, $0xb8;
	[tilespmem:$0x6080] =	vst v63  }
0x1a: {  	_ = 	snop  }
0x1b: {  	[tilespmem:s9], [sflag:$0x1] =	stream.indirect_vreg.gather [hbm4b:s3+s2], $0x80, v3, vm0, $0xb8;
	[tilespmem:$0x6080] =	vst v63  }
0x1c: {  	v3 =	vld [tilespmem:$0x10];
	_ =	sdelay $0x4  }
0x1d: {  	v59 =	vshll.u32 v3, $0x1  }
0x1e: {  	v3 =	vand.u32 $0x7, v3;
	v4 =	vand.u32 $0xFFFFFFF0, v59  }
0x1f: {  	v3 =	vor.u32 v3, v4  }
0x20: {  	v4 =	vperm.xlane v3, v0;
	_ =	sdelay $0x1  }
0x21: {  	v3 =	vperm.xlane v3, v2;
	v4 =	vadd.s32 v1, v4;
	_ =	sdelay $0x1  }
0x22: {  	v3 =	vadd.s32 v1, v3;
	_ =	sdelay $0x2  }
0x23: {  	[tilespmem:s10], [sflag:$0x1] =	stream.indirect_vreg.gather [hbm4b:s3+s2], $0x80, v4, vm0, $0xb8;
	[tilespmem:$0x6080] =	vst v63  }
0x24: {  	_ = 	snop  }
0x25: {  	[tilespmem:s11], [sflag:$0x1] =	stream.indirect_vreg.gather [hbm4b:s3+s2], $0x80, v3, vm0, $0xb8;
	[tilespmem:$0x6080] =	vst v63  }
0x26: {  	v3 =	vld [tilespmem:$0x20];
	_ =	sdelay $0x4  }
0x27: {  	v60 =	vshll.u32 v3, $0x1  }
0x28: {  	v3 =	vand.u32 $0x7, v3;
	v4 =	vand.u32 $0xFFFFFFF0, v60  }
0x29: {  	v3 =	vor.u32 v3, v4  }
0x2a: {  	v4 =	vperm.xlane v3, v0;
	_ =	sdelay $0x1  }
0x2b: {  	v3 =	vperm.xlane v3, v2;
	v4 =	vadd.s32 v1, v4;
	_ =	sdelay $0x1  }
0x2c: {  	v3 =	vadd.s32 v1, v3;
	_ =	sdelay $0x2  }
0x2d: {  	[tilespmem:s12], [sflag:$0x1] =	stream.indirect_vreg.gather [hbm4b:s3+s2], $0x80, v4, vm0, $0xb8;
	[tilespmem:$0x6080] =	vst v63  }
0x2e: {  	_ = 	snop  }
0x2f: {  	[tilespmem:s13], [sflag:$0x1] =	stream.indirect_vreg.gather [hbm4b:s3+s2], $0x80, v3, vm0, $0xb8;
	[tilespmem:$0x6080] =	vst v63  }
0x30: {  	v3 =	vld [tilespmem:$0x30];
	_ =	sdelay $0x4  }
0x31: {  	v61 =	vshll.u32 v3, $0x1  }
0x32: {  	v3 =	vand.u32 $0x7, v3;
	v4 =	vand.u32 $0xFFFFFFF0, v61  }
0x33: {  	v3 =	vor.u32 v3, v4  }
0x34: {  	v4 =	vperm.xlane v3, v0;
	_ =	sdelay $0x1  }
0x35: {  	v3 =	vperm.xlane v3, v2;
	v4 =	vadd.s32 v1, v4;
	_ =	sdelay $0x1  }
0x36: {  	v3 =	vadd.s32 v1, v3;
	_ =	sdelay $0x2  }
0x37: {  	[tilespmem:s14], [sflag:$0x1] =	stream.indirect_vreg.gather [hbm4b:s3+s2], $0x80, v4, vm0, $0xb8;
	[tilespmem:$0x6080] =	vst v63  }
0x38: {  	_ = 	snop  }
0x39: {  	[tilespmem:s15], [sflag:$0x1] =	stream.indirect_vreg.gather [hbm4b:s3+s2], $0x80, v3, vm0, $0xb8;
	[tilespmem:$0x6080] =	vst v63  }
0x3a: {  	v3 =	vld [tilespmem:$0x40];
	_ =	sdelay $0x4  }
0x3b: {  	v62 =	vshll.u32 v3, $0x1  }
0x3c: {  	v3 =	vand.u32 $0x7, v3;
	v4 =	vand.u32 $0xFFFFFFF0, v62  }
0x3d: {  	v3 =	vor.u32 v3, v4  }
0x3e: {  	v4 =	vperm.xlane v3, v0;
	_ =	sdelay $0x1  }
0x3f: {  	v3 =	vperm.xlane v3, v2;
	v4 =	vadd.s32 v1, v4;
	_ =	sdelay $0x1  }
0x40: {  	v3 =	vadd.s32 v1, v3;
	_ =	sdelay $0x2  }
0x41: {  	[tilespmem:s16], [sflag:$0x1] =	stream.indirect_vreg.gather [hbm4b:s3+s2], $0x80, v4, vm0, $0xb8;
	[tilespmem:$0x6080] =	vst v63  }
0x42: {  	_ = 	snop  }
0x43: {  	[tilespmem:s17], [sflag:$0x1] =	stream.indirect_vreg.gather [hbm4b:s3+s2], $0x80, v3, vm0, $0xb8;
	[tilespmem:$0x6080] =	vst v63  }
0x44: {  	v3 =	vld [tilespmem:$0x50];
	_ =	sdelay $0x4  }
0x45: {  	v63 =	vshll.u32 v3, $0x1  }
0x46: {  	v3 =	vand.u32 $0x7, v3;
	v4 =	vand.u32 $0xFFFFFFF0, v63  }
0x47: {  	v3 =	vor.u32 v3, v4  }
0x48: {  	v4 =	vperm.xlane v3, v0;
	_ =	sdelay $0x1  }
0x49: {  	v3 =	vperm.xlane v3, v2;
	v4 =	vadd.s32 v1, v4;
	_ =	sdelay $0x1  }
0x4a: {  	v3 =	vadd.s32 v1, v3;
	_ =	sdelay $0x2  }
0x4b: {  	[tilespmem:s18], [sflag:$0x1] =	stream.indirect_vreg.gather [hbm4b:s3+s2], $0x80, v4, vm0, $0xb8;
	[tilespmem:$0x6080] =	vst v63  }
0x4c: {  	_ = 	snop  }
0x4d: {  	[tilespmem:s19], [sflag:$0x1] =	stream.indirect_vreg.gather [hbm4b:s3+s2], $0x80, v3, vm0, $0xb8;
	[tilespmem:$0x6080] =	vst v63  }
0x4e: {  	_ =	swait.ge [sflag:s20], $0x6000  }
0x4f: {  	p0 =	sne.s32 s6, $0x1;
	[sflag:s20] =	ssyncset.done $0x0  }
.Ltmp0:
0x50: {  	[sflag:s20] =	ssyncadd.s32 $0xFFFFA000;
	(pc) =	sbr.rel @p0 .LBB2_1-.Ltmp0, $4  }
0x51: {  	[hbm4b:s5+s2] =	stream.linear.scatter [tilespmem:s8], [sflag:$0x2], $0x6000, $0x38;
	[tilespmem:$0x6080] =	vst v63  }
0x52: {  	_ =	swait.ge [sflag:s7], $0x6000  }
0x53: {  	[sflag:s7] =	ssyncset.done $0x0  }
0x54: {  	s6 =	sadd.s32 $0xFFFFFFFF, s6;
	[sflag:s7] =	ssyncadd.s32 $0xFFFFA000  }
0x55: {  	_ =	sfence.sel $0x180000  }
0x56: {  	[bflag:$0x0] =	sbarrier.arrive $0xFFFF  }
0x57: {  	p0 =	sne.s32 s0, $0x0;
	_ =	strace $0x9000004A  }
0x58: {  	s0 =	sadd.s32 @!p0 $0x100000, s1;
	[bflag:$0x2] =	sbarrier.arrive $0xFFFF  }
0x59: {  	[sflag:s0] =	ssyncadd.tile.s32 @!p0 $0x1;
	_ =	shalt  }
.Lfunc_end2:
_tile_overlayer_lowered:
.L_overlay_start_2:
0x5a: {  	(tag) =	ssettag $0x2  }
0x5b: {  	s0 =	rddreg [dreg:$0x0];
	s2 =	stileid.u32  }
0x5c: {  	s1 =	rddreg [dreg:$0x1];
	p0 =	sne.s32 s2, $0x0  }
0x5d: {  	s3 =	rddreg [dreg:$0x2];
	[bflag:$0x3] =	sbarrier.arrive $0xFFFF;
	s2 =	simm.s32 @!p0 $0x1C02  }
0x5e: {  	[timem:s3], [sflag:s2] =	dma.local @!p0 [hbm:s0], s1  }
0x5f: {  	s0 =	simm.s32 @!p0 $0x2  }
0x60: {  	_ =	swait.ge @!p0 [sflag:s0], s1  }
0x61: {  	s1 =	ssub.s32 @!p0 $0x0, s1;
	[sflag:s0] =	ssyncset.done @!p0 $0x0  }
0x62: {  	[sflag:s0] =	ssyncadd.s32 @!p0 s1  }
0x63: {  	[bflag:$0x3] =	sbarrier.arrive $0xFFFF  }
0x64: {  	_ =	shalt  }

// kernel: kernel.7.cloned.1.call-start
scs
__scs_entry_jumppad:
0x0: {  	(pc) =	sbr.rel $0x88, $3  }
0x1: {  	(tag) =	ssettag $0x0;
	lr =	simm.s32 $0x1  }
0x2: {  	[smem:$0x3F9F] =	sst lr;
	_ =	strace $0xD0000000  }
0x3: {  	_ = 	snop  }
0x4: {  	_ = 	snop  }
0x5: {  	_ = 	snop  }
0x6: {  	_ = 	snop  }
0x7: {  	_ = 	snop  }
__scs_overlays_trampoline_lowered:
0x8: {  	[smem:$0x3FAE] =	sst s0  }
0x9: {  	[smem:$0x3FAF] =	sst s1  }
0xa: {  	[smem:$0x3FB0] =	sst s2  }
0xb: {  	[smem:$0x3FB1] =	sst s3  }
0xc: {  	[smem:$0x3FB2] =	sst s4  }
0xd: {  	[smem:$0x3FB3] =	sst s5  }
0xe: {  	[smem:$0x3FB4] =	sst s6  }
0xf: {  	[smem:$0x3FB5] =	sst s7  }
0x10: {  	[smem:$0x3FB6] =	sst s8  }
0x11: {  	[smem:$0x3FB7] =	sst s9;
	s0 =	simm.s32 @!p0 $0x0  }
0x12: {  	s1 =	sld [smem:$0x3F9D];
	s0 =	simm.s32 @p0 $0x1  }
0x13: {  	[smem:$0x3FB8] =	sst s0;
	s0 =	simm.s32 @!p1 $0x0  }
0x14: {  	s2 =	sld [smem:$0x3F9C];
	s0 =	simm.s32 @p1 $0x1  }
0x15: {  	[smem:$0x3FB9] =	sst s0;
	s0 =	simm.s32 @!p2 $0x0  }
0x16: {  	s3 =	sld [smem:$0x3FDB];
	s0 =	simm.s32 @p2 $0x1  }
0x17: {  	s4 =	simm.s32 $0x1BF5;
	[smem:$0x3FBB] =	sst s0  }
0x18: {  	s0 =	sld [smem:$0x3F9E];
	_ =	swait.ge [sflag:s4], $0x0  }
0x19: {  	s7 =	sld [smem:$0x3F9F]  }
0x1a: {  	s8 =	sadd.s32 $0xFFFFE003, lr  }
0x1b: {  	s9 =	sadd.s32 $0xFFFFFEF7, lr;
	s5 =	simm.s32 $0xFFFFFFFF;
	p2 =	slt.u32 s8, $0xFFFFF086  }
0x1c: {  	p1 =	slt.u32 s9, $0xF7A;
	s5 =	simm.s32 @!p2 $0x0  }
0x1d: {  	s5 =	simm.s32 @p1 $0x1;
	p0 =	seq.s32 s7, s2  }
0x1e: {  	s7 =	smul.u32 @!p0 $0xF7A, s2;
	p2 =	seq.s32 @!p0 s5, $0x0  }
0x1f: {  	s9 =	smul.u32 $0xF7A, s1;
	s8 =	simm.s32 @!p0 $0x1BF5;
	p2 =	por !p2, p0  }
0x20: {  	[sflag:s8] =	ssyncset.s32 @!p0 $0xFFFFF086;
	s6 =	sadd.s32 @!p0 s3, s7;
	s7 =	simm.s32 @!p0 $0x108  }
0x21: {  	s3 =	sadd.s32 s3, s9;
	s6 =	sadd.s32 @!p0 $0x88, s6;
	s7 =	simm.s32 @p2 $0x1082  }
0x22: {  	[simem:s7], [sflag:s8] =	dma.local @!p0 [hbm:s6], $0xF7A  }
0x23: {  	s9 =	sor.u32 $0xD0000000, s2;
	s6 =	simm.s32 $0x108;
	_ =	swait.ge @!p0 [sflag:s8], $0x0  }
0x24: {  	s3 =	sadd.s32 $0x88, s3;
	s6 =	simm.s32 @!p1 $0x1082;
	[sflag:s4] =	ssyncset.s32 $0xFFFFF086  }
0x25: {  	[simem:s6], [sflag:s4] =	dma.local [hbm:s3], $0xF7A  }
0x26: {  	[smem:$0x3F9F] =	sst s1;
	(tag) =	ssettag s2;
	_ =	strace s9  }
0x27: {  	s1 =	sld [smem:$0x3FAF]  }
0x28: {  	s2 =	sld [smem:$0x3FB0]  }
0x29: {  	s4 =	sld [smem:$0x3FB2]  }
0x2a: {  	p0 =	seq.s32 s5, $0x0;
	s5 =	sld [smem:$0x3FB3]  }
0x2b: {  	s6 =	sld [smem:$0x3FB4]  }
0x2c: {  	s7 =	sld [smem:$0x3FB5]  }
0x2d: {  	s3 =	simm.s32 $0x108;
	s8 =	sld [smem:$0x3FB6]  }
0x2e: {  	s3 =	simm.s32 @!p0 $0x1082;
	s9 =	sld [smem:$0x3FB7]  }
0x2f: {  	lr =	sadd.s32 s0, s3;
	s0 =	sld [smem:$0x3FAE]  }
0x30: {  	s3 =	sld [smem:$0x3FB1]  }
0x31: {  	[smem:$0x3FBA] =	sst s10  }
0x32: {  	s10 =	sld [smem:$0x3FB8];
	_ =	sdelay $0x3  }
0x33: {  	p0 =	seq.s32 s10, $0x1;
	s10 =	sld [smem:$0x3FBA];
	_ =	sdelay $0x3  }
0x34: {  	[smem:$0x3FBA] =	sst s10  }
0x35: {  	s10 =	sld [smem:$0x3FB9];
	_ =	sdelay $0x3  }
0x36: {  	p1 =	seq.s32 s10, $0x1;
	s10 =	sld [smem:$0x3FBA];
	_ =	sdelay $0x3  }
0x37: {  	[smem:$0x3FBA] =	sst s10  }
0x38: {  	s10 =	sld [smem:$0x3FBB]  }
0x39: {  	_ = 	snop;
	(pc) =	sbr.ind lr, $3  }
0x3a: {  	_ = 	snop  }
0x3b: {  	_ = 	snop  }
0x3c: {  	p2 =	seq.s32 s10, $0x1;
	s10 =	sld [smem:$0x3FBA]  }
0x3d: {  	_ =	shalt  }
0x3e: {  	_ =	shalt  }
0x3f: {  	_ =	shalt  }
0x40: {  	_ =	shalt  }
0x41: {  	_ =	shalt  }
0x42: {  	_ =	shalt  }
0x43: {  	_ =	shalt  }
0x44: {  	_ =	shalt  }
0x45: {  	_ =	shalt  }
0x46: {  	_ =	shalt  }
0x47: {  	_ =	shalt  }
0x48: {  	_ =	shalt  }
0x49: {  	_ =	shalt  }
0x4a: {  	_ =	shalt  }
0x4b: {  	_ =	shalt  }
0x4c: {  	_ =	shalt  }
0x4d: {  	_ =	shalt  }
0x4e: {  	_ =	shalt  }
0x4f: {  	_ =	shalt  }
0x50: {  	_ =	shalt  }
0x51: {  	_ =	shalt  }
0x52: {  	_ =	shalt  }
0x53: {  	_ =	shalt  }
0x54: {  	_ =	shalt  }
0x55: {  	_ =	shalt  }
0x56: {  	_ =	shalt  }
0x57: {  	_ =	shalt  }
0x58: {  	_ =	shalt  }
0x59: {  	_ =	shalt  }
0x5a: {  	_ =	shalt  }
0x5b: {  	_ =	shalt  }
0x5c: {  	_ =	shalt  }
0x5d: {  	_ =	shalt  }
0x5e: {  	_ =	shalt  }
0x5f: {  	_ =	shalt  }
0x60: {  	_ =	shalt  }
0x61: {  	_ =	shalt  }
0x62: {  	_ =	shalt  }
0x63: {  	_ =	shalt  }
0x64: {  	_ =	shalt  }
0x65: {  	_ =	shalt  }
0x66: {  	_ =	shalt  }
0x67: {  	_ =	shalt  }
0x68: {  	_ =	shalt  }
0x69: {  	_ =	shalt  }
0x6a: {  	_ =	shalt  }
0x6b: {  	_ =	shalt  }
0x6c: {  	_ =	shalt  }
0x6d: {  	_ =	shalt  }
0x6e: {  	_ =	shalt  }
0x6f: {  	_ =	shalt  }
0x70: {  	_ =	shalt  }
0x71: {  	_ =	shalt  }
0x72: {  	_ =	shalt  }
0x73: {  	_ =	shalt  }
0x74: {  	_ =	shalt  }
0x75: {  	_ =	shalt  }
0x76: {  	_ =	shalt  }
0x77: {  	_ =	shalt  }
0x78: {  	_ =	shalt  }
0x79: {  	_ =	shalt  }
0x7a: {  	_ =	shalt  }
0x7b: {  	_ =	shalt  }
0x7c: {  	_ =	shalt  }
0x7d: {  	_ =	shalt  }
0x7e: {  	_ =	shalt  }
0x7f: {  	_ =	shalt  }
0x80: {  	_ =	shalt  }
0x81: {  	_ =	shalt  }
0x82: {  	_ =	shalt  }
0x83: {  	_ =	shalt  }
0x84: {  	_ =	shalt  }
0x85: {  	_ =	shalt  }
0x86: {  	_ =	shalt  }
0x87: {  	_ =	shalt  }
.Lfunc_end0:
.L_simem_size_0:
called_computation_lowered:
.L_overlay_start_0:
0x88: {  	s2 =	sld [smem:$0x3FD9]  }
0x89: {  	s3 =	sld [smem:$0x3FFE];
	_ =	sdelay $0x1  }
0x8a: {  	s1 =	srdreg.scid  }
0x8b: {  	s0 =	sand.u32 $0x1, s1  }
0x8c: {  	s14 =	sshll.u32 s0, $0xA;
	s2 =	sadd.s32 s3, s2  }
0x8d: {  	s2 =	sadd.s32 s2, s14  }
0x8e: {  	[smem:$0x3FC6] =	sst s2  }
0x8f: {  	_ = 	snop  }
0x90: {  	s2 =	sld [smem:$0x3FD0];
	_ =	sdelay $0x2  }
0x91: {  	s15 =	simm.s32 $0xA;
	s4 =	simm.s32 $0x10  }
0x92: {  	[smem:s4], [sflag:s15] =	dma.local [hbm:s2], $0x1  }
0x93: {  	_ =	swait.eq [sflag:s15], $0x1  }
0x94: {  	[sflag:s15] =	ssyncset.done $0x0  }
0x95: {  	[sflag:s15] =	ssyncadd.s32 $0xFFFFFFFF  }
0x96: {  	s16 =	sld [smem:$0x10];
	(tm) =	ssettm $0x1  }
0x97: {  	s17 =	sld [smem:$0x3FFB];
	_ =	sdelay $0x3  }
0x98: {  	_ =	strace s17  }
0x99: {  	s3 =	sld [smem:$0x3FFC];
	_ =	sdelay $0x3  }
0x9a: {  	_ =	strace s3  }
0x9b: {  	s3 =	sld [smem:$0x3FFD];
	_ =	sdelay $0x3  }
0x9c: {  	_ =	strace s3  }
0x9d: {  	_ =	strace $0x8FFFFFFF  }
0x9e: {  	s18 =	sld [smem:$0x3FDB];
	_ =	sdelay $0x1  }
0x9f: {  	s19 =	simm.s32 $_scs_section_size  }
0xa0: {  	s5 =	simm.s32 $_size__tile_overlayer_lowered;
	s6 =	simm.s32 $_tile_overlayer_lowered  }
0xa1: {  	s22 =	simm.s32 $0x1BFF;
	s21 =	sshll.u32 s6, $0x1;
	s3 =	sadd.s32 s19, s18  }
0xa2: {  	s7 =	simm.s32 $0x0;
	s20 =	sshll.u32 s5, $0x1;
	s5 =	sadd.s32 s21, s3  }
0xa3: {  	[timem:s7], [sflag:s22] =	dma.local [hbm:s5], s20  }
0xa4: {  	_ =	swait.ge [sflag:s22], s20  }
0xa5: {  	s4 =	ssub.s32 $0x0, s20;
	[sflag:s22] =	ssyncset.done $0x0  }
0xa6: {  	[sflag:s22] =	ssyncadd.s32 s4;
	_ =	sdelay $0x1  }
0xa7: {  	s23 =	simm.s32 $0x1B8B  }
0xa8: {  	_ =	swait.ge [sflag:s23], $0x1  }
0xa9: {  	[sflag:s23] =	ssyncset.done $0x0  }
0xaa: {  	s25 =	simm.s32 $0x1B8E;
	s24 =	sld [smem:$0x3FFE];
	[sflag:s23] =	ssyncadd.s32 $0xFFFFFFFF  }
0xab: {  	s26 =	simm.s32 $execute0_lowered;
	[smem:$0x3FD2] =	sst s25  }
0xac: {  	s5 =	sshll.u32 s26, $0x1;
	_ =	strace $0x80000046;
	[dreg:$0x1] =	wrdreg $0xFFFFFFFF  }
0xad: {  	s28 =	simm.s32 $_size_execute0_lowered;
	s3 =	sadd.s32 s3, s5;
	[dreg:$0x0] =	wrdreg $0x0  }
0xae: {  	s5 =	sshll.u32 s28, $0x1;
	[dreg:$0x2] =	wrdreg s3  }
0xaf: {  	[dreg:$0x3] =	wrdreg s5  }
0xb0: {  	[dreg:$0x4] =	wrdreg $0xC0  }
0xb1: {  	_ =	task [dreg:s7], $0x5FFFF  }
0xb2: {  	[dreg:$0x1] =	wrdreg $0xFFFFFFFF  }
0xb3: {  	[dreg:$0x0] =	wrdreg $0x60  }
0xb4: {  	[dreg:$0x2] =	wrdreg s24  }
0xb5: {  	[dreg:$0x3] =	wrdreg s16  }
0xb6: {  	[dreg:$0x4] =	wrdreg $0x9  }
0xb7: {  	_ =	task.clear_ibuf [dreg:s7], $0x5FFFF;
	_ =	strace $0x90000046  }
0xb8: {  	s29 =	simm.s32 $0x9;
	_ =	strace $0x80000048  }
0xb9: {  	_ =	swait.ge [sflag:s29], $0x1  }
0xba: {  	[sflag:s29] =	ssyncadd.s32 $0xFFFFFFFF  }
0xbb: {  	_ =	strace $0x90000048  }
0xbc: {  	_ =	sfence  }
0xbd: {  	s30 =	sld [smem:$0x0];
	_ =	sdelay $0x2  }
0xbe: {  	s31 =	sshll.u32 s1, $0xD;
	s1 =	sshrl.u32 s1, $0x2  }
0xbf: {  	s3 =	sand.u32 $0x4000, s31;
	s1 =	sadd.s32 s1, s30  }
0xc0: {  	s0 =	sor.u32 s3, s0;
	s1 =	sshll.u32 s1, $0x11  }
0xc1: {  	s0 =	sor.u32 s1, s0  }
0xc2: {  	s0 =	sadd.s32 $0x8F2B, s0  }
0xc3: {  	[sflag:s0] =	ssyncadd.remote.s32 $0x1  }
0xc4: {  	_ =	sfence.sel $0xFFFF  }
0xc5: {  	[dreg:$0x0] =	wrdreg $0xFFFFFFFF;
	(pc) =	sbr.abs _section_cstart, $3  }
0xc6: {  	[dreg:$0x1] =	wrdreg $0xFFFFFFFF  }
0xc7: {  	_ =	task.clear_ibuf [dreg:s7], $0x2FFFF;
	_ =	strace $0x9FFFFFFF  }
0xc8: {  	(tm) =	ssettm $0x7FFFFFFF  }
0xc9: {  	_ =	shalt  }
tec
execute0_lowered:
.L_overlay_start_1:
0x0: {  	(tag) =	ssettag $0x1  }
0x1: {  	s1 =	rddreg [dreg:$0x0];
	s2 =	srdreg.scid  }
0x2: {  	s0 =	stileid.u32;
	s4 =	rddreg [dreg:$0x1];
	s8 =	simm.s32 $0x900  }
0x3: {  	s9 =	simm.s32 $0x1100;
	s10 =	simm.s32 $0x1900;
	s11 =	simm.s32 $0x2100  }
0x4: {  	s12 =	simm.s32 $0x2900;
	s13 =	simm.s32 $0x3100;
	s14 =	simm.s32 $0x3900  }
0x5: {  	s15 =	simm.s32 $0x4100;
	s16 =	simm.s32 $0x4900;
	s17 =	simm.s32 $0x5100  }
0x6: {  	s18 =	simm.s32 $0x5900;
	s19 =	simm.s32 $0x6100;
	s20 =	simm.s32 $0x6900  }
0x7: {  	s21 =	simm.s32 $0x7100;
	s22 =	simm.s32 $0x7900;
	s23 =	simm.s32 $0x8100  }
0x8: {  	s24 =	simm.s32 $0x8900;
	s25 =	simm.s32 $0x9100;
	s28 =	simm.s32 $0xA100  }
0x9: {  	s29 =	simm.s32 $0xA900;
	s3 =	sand.u32 $0x1, s2;
	s5 =	sshll.u32 s0, $0x1  }
0xa: {  	s30 =	simm.s32 $0xB100;
	s2 =	simm.s32 $0x0;
	s5 =	sor.u32 s3, s5  }
0xb: {  	s31 =	simm.s32 $0xB900;
	[smem:$0x7FF] =	sst s2;
	s6 =	smul.u32 $0x18, s5  }
0xc: {  	s7 =	ssub.s32 $0x2, s3;
	s3 =	sadd.s32 $0x2800, s1;
	s5 =	smul.u32 $0x1800, s5  }
0xd: {  	_ =	strace $0x80000047;
	s26 =	sshrl.u32 s7, $0x1;
	s6 =	sadd.s32 s6, s1  }
0xe: {  	v2 =	vlaneseq.u32;
	s1 =	ssub.s32 s7, s26;
	s4 =	sadd.s32 s4, s5;
	s7 =	simm.s32 $0x100  }
0xf: {  	vm0 =	vmmov $0xffff;
	v1 =	vshrl.u32 v2, $0x3;
	s26 =	simm.s32 $0x9900;
	s6 =	sadd.s32 $0xA800, s6;
	s5 =	smax.u32 s1, $0x1  }
0x10: {  	v0 =	vand.u32 $0x7, v2;
	v2 =	vor.u32 $0x8, v2;
	v1 =	vmul.u32 $0x8, v1;
	s1 =	simm.s32 $0x1;
	[dreg:$0x3] =	wrdreg s6;
	s6 =	simm.s32 $0x2  }
.LBB2_1:
0x11: {  	s0 =	rddreg [dreg:$0x3]  }
0x12: {  	[tilespmem:s2], [sflag:$0x2] =	stream.linear.gather [hbm4b:s0+s2], $0xC0, $0x38;
	[tilespmem:$0xC100] =	vst v63  }
0x13: {  	_ =	swait.ge [sflag:s6], $0xC0  }
0x14: {  	[sflag:s6] =	ssyncset.done $0x0  }
0x15: {  	[sflag:s6] =	ssyncadd.s32 $0xFFFFFF40  }
0x16: {  	v3 =	vld [tilespmem:$0x0];
	_ =	sdelay $0x4  }
0x17: {  	v4 =	vshll.u32 v3, $0x1  }
0x18: {  	v3 =	vand.u32 $0x7, v3;
	v4 =	vand.u32 $0xFFFFFFF0, v4  }
0x19: {  	v3 =	vor.u32 v3, v4  }
0x1a: {  	v4 =	vperm.xlane v3, v0;
	_ =	sdelay $0x1  }
0x1b: {  	v3 =	vperm.xlane v3, v2;
	v4 =	vadd.s32 v1, v4;
	_ =	sdelay $0x1  }
0x1c: {  	v3 =	vadd.s32 v1, v3;
	_ =	sdelay $0x2  }
0x1d: {  	[tilespmem:s7], [sflag:$0x1] =	stream.indirect_vreg.gather [hbm4b:s3+s2], $0x80, v4, vm0, $0xb8;
	[tilespmem:$0xC100] =	vst v63  }
0x1e: {  	_ = 	snop  }
0x1f: {  	[tilespmem:s8], [sflag:$0x1] =	stream.indirect_vreg.gather [hbm4b:s3+s2], $0x80, v3, vm0, $0xb8;
	[tilespmem:$0xC100] =	vst v63  }
0x20: {  	v3 =	vld [tilespmem:$0x10];
	_ =	sdelay $0x4  }
0x21: {  	v53 =	vshll.u32 v3, $0x1  }
0x22: {  	v3 =	vand.u32 $0x7, v3;
	v4 =	vand.u32 $0xFFFFFFF0, v53  }
0x23: {  	v3 =	vor.u32 v3, v4  }
0x24: {  	v4 =	vperm.xlane v3, v0;
	_ =	sdelay $0x1  }
0x25: {  	v3 =	vperm.xlane v3, v2;
	v4 =	vadd.s32 v1, v4;
	_ =	sdelay $0x1  }
0x26: {  	v3 =	vadd.s32 v1, v3;
	_ =	sdelay $0x2  }
0x27: {  	[tilespmem:s9], [sflag:$0x1] =	stream.indirect_vreg.gather [hbm4b:s3+s2], $0x80, v4, vm0, $0xb8;
	[tilespmem:$0xC100] =	vst v63  }
0x28: {  	_ = 	snop  }
0x29: {  	[tilespmem:s10], [sflag:$0x1] =	stream.indirect_vreg.gather [hbm4b:s3+s2], $0x80, v3, vm0, $0xb8;
	[tilespmem:$0xC100] =	vst v63  }
0x2a: {  	v3 =	vld [tilespmem:$0x20];
	_ =	sdelay $0x4  }
0x2b: {  	v54 =	vshll.u32 v3, $0x1  }
0x2c: {  	v3 =	vand.u32 $0x7, v3;
	v4 =	vand.u32 $0xFFFFFFF0, v54  }
0x2d: {  	v3 =	vor.u32 v3, v4  }
0x2e: {  	v4 =	vperm.xlane v3, v0;
	_ =	sdelay $0x1  }
0x2f: {  	v3 =	vperm.xlane v3, v2;
	v4 =	vadd.s32 v1, v4;
	_ =	sdelay $0x1  }
0x30: {  	v3 =	vadd.s32 v1, v3;
	_ =	sdelay $0x2  }
0x31: {  	[tilespmem:s11], [sflag:$0x1] =	stream.indirect_vreg.gather [hbm4b:s3+s2], $0x80, v4, vm0, $0xb8;
	[tilespmem:$0xC100] =	vst v63  }
0x32: {  	_ = 	snop  }
0x33: {  	[tilespmem:s12], [sflag:$0x1] =	stream.indirect_vreg.gather [hbm4b:s3+s2], $0x80, v3, vm0, $0xb8;
	[tilespmem:$0xC100] =	vst v63  }
0x34: {  	v3 =	vld [tilespmem:$0x30];
	_ =	sdelay $0x4  }
0x35: {  	v55 =	vshll.u32 v3, $0x1  }
0x36: {  	v3 =	vand.u32 $0x7, v3;
	v4 =	vand.u32 $0xFFFFFFF0, v55  }
0x37: {  	v3 =	vor.u32 v3, v4  }
0x38: {  	v4 =	vperm.xlane v3, v0;
	_ =	sdelay $0x1  }
0x39: {  	v3 =	vperm.xlane v3, v2;
	v4 =	vadd.s32 v1, v4;
	_ =	sdelay $0x1  }
0x3a: {  	v3 =	vadd.s32 v1, v3;
	_ =	sdelay $0x2  }
0x3b: {  	[tilespmem:s13], [sflag:$0x1] =	stream.indirect_vreg.gather [hbm4b:s3+s2], $0x80, v4, vm0, $0xb8;
	[tilespmem:$0xC100] =	vst v63  }
0x3c: {  	_ = 	snop  }
0x3d: {  	[tilespmem:s14], [sflag:$0x1] =	stream.indirect_vreg.gather [hbm4b:s3+s2], $0x80, v3, vm0, $0xb8;
	[tilespmem:$0xC100] =	vst v63  }
0x3e: {  	v3 =	vld [tilespmem:$0x40];
	_ =	sdelay $0x4  }
0x3f: {  	v56 =	vshll.u32 v3, $0x1  }
0x40: {  	v3 =	vand.u32 $0x7, v3;
	v4 =	vand.u32 $0xFFFFFFF0, v56  }
0x41: {  	v3 =	vor.u32 v3, v4  }
0x42: {  	v4 =	vperm.xlane v3, v0;
	_ =	sdelay $0x1  }
0x43: {  	v3 =	vperm.xlane v3, v2;
	v4 =	vadd.s32 v1, v4;
	_ =	sdelay $0x1  }
0x44: {  	v3 =	vadd.s32 v1, v3;
	_ =	sdelay $0x2  }
0x45: {  	[tilespmem:s15], [sflag:$0x1] =	stream.indirect_vreg.gather [hbm4b:s3+s2], $0x80, v4, vm0, $0xb8;
	[tilespmem:$0xC100] =	vst v63  }
0x46: {  	_ = 	snop  }
0x47: {  	[tilespmem:s16], [sflag:$0x1] =	stream.indirect_vreg.gather [hbm4b:s3+s2], $0x80, v3, vm0, $0xb8;
	[tilespmem:$0xC100] =	vst v63  }
0x48: {  	v3 =	vld [tilespmem:$0x50];
	_ =	sdelay $0x4  }
0x49: {  	v57 =	vshll.u32 v3, $0x1  }
0x4a: {  	v3 =	vand.u32 $0x7, v3;
	v4 =	vand.u32 $0xFFFFFFF0, v57  }
0x4b: {  	v3 =	vor.u32 v3, v4  }
0x4c: {  	v4 =	vperm.xlane v3, v0;
	_ =	sdelay $0x1  }
0x4d: {  	v3 =	vperm.xlane v3, v2;
	v4 =	vadd.s32 v1, v4;
	_ =	sdelay $0x1  }
0x4e: {  	v3 =	vadd.s32 v1, v3;
	_ =	sdelay $0x2  }
0x4f: {  	[tilespmem:s17], [sflag:$0x1] =	stream.indirect_vreg.gather [hbm4b:s3+s2], $0x80, v4, vm0, $0xb8;
	[tilespmem:$0xC100] =	vst v63  }
0x50: {  	_ = 	snop  }
0x51: {  	[tilespmem:s18], [sflag:$0x1] =	stream.indirect_vreg.gather [hbm4b:s3+s2], $0x80, v3, vm0, $0xb8;
	[tilespmem:$0xC100] =	vst v63  }
0x52: {  	v3 =	vld [tilespmem:$0x60];
	_ =	sdelay $0x4  }
0x53: {  	v58 =	vshll.u32 v3, $0x1  }
0x54: {  	v3 =	vand.u32 $0x7, v3;
	v4 =	vand.u32 $0xFFFFFFF0, v58  }
0x55: {  	v3 =	vor.u32 v3, v4  }
0x56: {  	v4 =	vperm.xlane v3, v0;
	_ =	sdelay $0x1  }
0x57: {  	v3 =	vperm.xlane v3, v2;
	v4 =	vadd.s32 v1, v4;
	_ =	sdelay $0x1  }
0x58: {  	v3 =	vadd.s32 v1, v3;
	_ =	sdelay $0x2  }
0x59: {  	[tilespmem:s19], [sflag:$0x1] =	stream.indirect_vreg.gather [hbm4b:s3+s2], $0x80, v4, vm0, $0xb8;
	[tilespmem:$0xC100] =	vst v63  }
0x5a: {  	_ = 	snop  }
0x5b: {  	[tilespmem:s20], [sflag:$0x1] =	stream.indirect_vreg.gather [hbm4b:s3+s2], $0x80, v3, vm0, $0xb8;
	[tilespmem:$0xC100] =	vst v63  }
0x5c: {  	v3 =	vld [tilespmem:$0x70];
	_ =	sdelay $0x4  }
0x5d: {  	v59 =	vshll.u32 v3, $0x1  }
0x5e: {  	v3 =	vand.u32 $0x7, v3;
	v4 =	vand.u32 $0xFFFFFFF0, v59  }
0x5f: {  	v3 =	vor.u32 v3, v4  }
0x60: {  	v4 =	vperm.xlane v3, v0;
	_ =	sdelay $0x1  }
0x61: {  	v3 =	vperm.xlane v3, v2;
	v4 =	vadd.s32 v1, v4;
	_ =	sdelay $0x1  }
0x62: {  	v3 =	vadd.s32 v1, v3;
	_ =	sdelay $0x2  }
0x63: {  	[tilespmem:s21], [sflag:$0x1] =	stream.indirect_vreg.gather [hbm4b:s3+s2], $0x80, v4, vm0, $0xb8;
	[tilespmem:$0xC100] =	vst v63  }
0x64: {  	_ = 	snop  }
0x65: {  	[tilespmem:s22], [sflag:$0x1] =	stream.indirect_vreg.gather [hbm4b:s3+s2], $0x80, v3, vm0, $0xb8;
	[tilespmem:$0xC100] =	vst v63  }
0x66: {  	v3 =	vld [tilespmem:$0x80];
	_ =	sdelay $0x4  }
0x67: {  	v60 =	vshll.u32 v3, $0x1  }
0x68: {  	v3 =	vand.u32 $0x7, v3;
	v4 =	vand.u32 $0xFFFFFFF0, v60  }
0x69: {  	v3 =	vor.u32 v3, v4  }
0x6a: {  	v4 =	vperm.xlane v3, v0;
	_ =	sdelay $0x1  }
0x6b: {  	v3 =	vperm.xlane v3, v2;
	v4 =	vadd.s32 v1, v4;
	_ =	sdelay $0x1  }
0x6c: {  	v3 =	vadd.s32 v1, v3;
	_ =	sdelay $0x2  }
0x6d: {  	[tilespmem:s23], [sflag:$0x1] =	stream.indirect_vreg.gather [hbm4b:s3+s2], $0x80, v4, vm0, $0xb8;
	[tilespmem:$0xC100] =	vst v63  }
0x6e: {  	_ = 	snop  }
0x6f: {  	[tilespmem:s24], [sflag:$0x1] =	stream.indirect_vreg.gather [hbm4b:s3+s2], $0x80, v3, vm0, $0xb8;
	[tilespmem:$0xC100] =	vst v63  }
0x70: {  	v3 =	vld [tilespmem:$0x90];
	_ =	sdelay $0x4  }
0x71: {  	v61 =	vshll.u32 v3, $0x1  }
0x72: {  	v3 =	vand.u32 $0x7, v3;
	v4 =	vand.u32 $0xFFFFFFF0, v61  }
0x73: {  	v3 =	vor.u32 v3, v4  }
0x74: {  	v4 =	vperm.xlane v3, v0;
	_ =	sdelay $0x1  }
0x75: {  	v3 =	vperm.xlane v3, v2;
	v4 =	vadd.s32 v1, v4;
	_ =	sdelay $0x1  }
0x76: {  	v3 =	vadd.s32 v1, v3;
	_ =	sdelay $0x2  }
0x77: {  	[tilespmem:s25], [sflag:$0x1] =	stream.indirect_vreg.gather [hbm4b:s3+s2], $0x80, v4, vm0, $0xb8;
	[tilespmem:$0xC100] =	vst v63  }
0x78: {  	_ = 	snop  }
0x79: {  	[tilespmem:s26], [sflag:$0x1] =	stream.indirect_vreg.gather [hbm4b:s3+s2], $0x80, v3, vm0, $0xb8;
	[tilespmem:$0xC100] =	vst v63  }
0x7a: {  	v3 =	vld [tilespmem:$0xA0];
	_ =	sdelay $0x4  }
0x7b: {  	v62 =	vshll.u32 v3, $0x1  }
0x7c: {  	v3 =	vand.u32 $0x7, v3;
	v4 =	vand.u32 $0xFFFFFFF0, v62  }
0x7d: {  	v3 =	vor.u32 v3, v4  }
0x7e: {  	v4 =	vperm.xlane v3, v0;
	_ =	sdelay $0x1  }
0x7f: {  	v3 =	vperm.xlane v3, v2;
	v4 =	vadd.s32 v1, v4;
	_ =	sdelay $0x1  }
0x80: {  	v3 =	vadd.s32 v1, v3;
	_ =	sdelay $0x2  }
0x81: {  	[tilespmem:s28], [sflag:$0x1] =	stream.indirect_vreg.gather [hbm4b:s3+s2], $0x80, v4, vm0, $0xb8;
	[tilespmem:$0xC100] =	vst v63  }
0x82: {  	_ = 	snop  }
0x83: {  	[tilespmem:s29], [sflag:$0x1] =	stream.indirect_vreg.gather [hbm4b:s3+s2], $0x80, v3, vm0, $0xb8;
	[tilespmem:$0xC100] =	vst v63  }
0x84: {  	v3 =	vld [tilespmem:$0xB0];
	_ =	sdelay $0x4  }
0x85: {  	v63 =	vshll.u32 v3, $0x1  }
0x86: {  	v3 =	vand.u32 $0x7, v3;
	v4 =	vand.u32 $0xFFFFFFF0, v63  }
0x87: {  	v3 =	vor.u32 v3, v4  }
0x88: {  	v4 =	vperm.xlane v3, v0;
	_ =	sdelay $0x1  }
0x89: {  	v3 =	vperm.xlane v3, v2;
	v4 =	vadd.s32 v1, v4;
	_ =	sdelay $0x1  }
0x8a: {  	v3 =	vadd.s32 v1, v3;
	_ =	sdelay $0x2  }
0x8b: {  	[tilespmem:s30], [sflag:$0x1] =	stream.indirect_vreg.gather [hbm4b:s3+s2], $0x80, v4, vm0, $0xb8;
	[tilespmem:$0xC100] =	vst v63  }
0x8c: {  	_ = 	snop  }
0x8d: {  	[tilespmem:s31], [sflag:$0x1] =	stream.indirect_vreg.gather [hbm4b:s3+s2], $0x80, v3, vm0, $0xb8;
	[tilespmem:$0xC100] =	vst v63  }
0x8e: {  	_ =	swait.ge [sflag:s1], $0xC000  }
0x8f: {  	p0 =	sne.s32 s5, $0x1;
	[sflag:s1] =	ssyncset.done $0x0  }
.Ltmp0:
0x90: {  	[sflag:s1] =	ssyncadd.s32 $0xFFFF4000;
	(pc) =	sbr.rel @p0 .LBB2_1-.Ltmp0, $4  }
0x91: {  	[hbm4b:s4+s2] =	stream.linear.scatter [tilespmem:s7], [sflag:$0x2], $0xC000, $0x38;
	[tilespmem:$0xC100] =	vst v63  }
0x92: {  	_ =	swait.ge [sflag:s6], $0xC000  }
0x93: {  	[sflag:s6] =	ssyncset.done $0x0  }
0x94: {  	s5 =	sadd.s32 $0xFFFFFFFF, s5;
	[sflag:s6] =	ssyncadd.s32 $0xFFFF4000  }
0x95: {  	_ =	sfence.sel $0x180000  }
0x96: {  	[bflag:$0x0] =	sbarrier.arrive $0xFFFF  }
0x97: {  	_ =	strace $0x90000047  }
0x98: {  	s0 =	stileid.u32;
	[bflag:$0x2] =	sbarrier.arrive $0xFFFF  }
0x99: {  	p0 =	sne.s32 s0, $0x0;
	s0 =	rddreg [dreg:$0x2]  }
0x9a: {  	s0 =	sadd.s32 @!p0 $0x100000, s0  }
0x9b: {  	[sflag:s0] =	ssyncadd.tile.s32 @!p0 $0x1;
	_ =	shalt  }
.Lfunc_end2:
_tile_overlayer_lowered:
.L_overlay_start_2:
0x9c: {  	(tag) =	ssettag $0x2  }
0x9d: {  	s0 =	rddreg [dreg:$0x0];
	s2 =	stileid.u32  }
0x9e: {  	s1 =	rddreg [dreg:$0x1];
	p0 =	sne.s32 s2, $0x0  }
0x9f: {  	s3 =	rddreg [dreg:$0x2];
	[bflag:$0x3] =	sbarrier.arrive $0xFFFF;
	s2 =	simm.s32 @!p0 $0x1C02  }
0xa0: {  	[timem:s3], [sflag:s2] =	dma.local @!p0 [hbm:s0], s1  }
0xa1: {  	s0 =	simm.s32 @!p0 $0x2  }
0xa2: {  	_ =	swait.ge @!p0 [sflag:s0], s1  }
0xa3: {  	s1 =	ssub.s32 @!p0 $0x0, s1;
	[sflag:s0] =	ssyncset.done @!p0 $0x0  }
0xa4: {  	[sflag:s0] =	ssyncadd.s32 @!p0 s1  }
0xa5: {  	[bflag:$0x3] =	sbarrier.arrive $0xFFFF  }
0xa6: {  	_ =	shalt  }

</sc_bundles>
